<compile_context>
chip_gen: v7x
topology: tpu7x:2x2x1
jax: 0.10.2.dev20260603
libtpu: 0.0.44.dev20260713+nightly
codegen_flags: <defaults>
</compile_context>

<pallas_src>
import functools

import jax
import jax.numpy as jnp
from jax import lax
from jax.experimental import pallas as pl
from jax.experimental.pallas import tpu as pltpu
from jax.experimental.pallas import tpu_sc as plsc

D = 2048

_info = plsc.get_sparse_core_info()
NC, NS, L = _info.num_cores, _info.num_subcores, _info.num_lanes
NW = NC * NS

B = 4 * 4096
B_PER_W = B // NW
CH = 8
NBUF = 7
AHEAD = 5
N_CHUNKS = B_PER_W // CH


def _make_gather():
    mesh = plsc.VectorSubcoreMesh(core_axis_name="c", subcore_axis_name="s")

    @functools.partial(
        pl.kernel,
        mesh=mesh,
        out_type=jax.ShapeDtypeStruct((B, D), jnp.float32),
        scratch_types=[
            pltpu.VMEM((B_PER_W,), jnp.int32),
        ]
        + [pltpu.VMEM((CH, D), jnp.float32) for _ in range(NBUF)]
        + [pltpu.SemaphoreType.DMA for _ in range(2 * NBUF)],
    )
    def k(table_hbm, idx_hbm, out_hbm, idx_v, *bufs_and_sems):
        bufs = bufs_and_sems[:NBUF]
        gsem = bufs_and_sems[NBUF:2 * NBUF]
        wsem = bufs_and_sems[2 * NBUF:]
        wid = lax.axis_index("s") * NC + lax.axis_index("c")
        base = wid * B_PER_W
        pltpu.sync_copy(idx_hbm.at[pl.ds(base, B_PER_W)], idx_v)

        def fire_gather(c, j):
            pltpu.async_copy(
                table_hbm.at[idx_v.at[pl.ds(c * CH, CH)]], bufs[j], gsem[j]
            )

        def wait_gather(c, j):
            pltpu.make_async_copy(
                table_hbm.at[idx_v.at[pl.ds(c * CH, CH)]], bufs[j], gsem[j]
            ).wait()

        def fire_write(c, j):
            pltpu.async_copy(
                bufs[j], out_hbm.at[pl.ds(base + c * CH, CH)], wsem[j]
            )

        def wait_write(c, j):
            pltpu.make_async_copy(
                bufs[j], out_hbm.at[pl.ds(base + c * CH, CH)], wsem[j]
            ).wait()

        for c in range(AHEAD):
            fire_gather(c, c % NBUF)

        def step(c, j):
            wait_gather(c, j)
            fire_write(c, j)
            if c + AHEAD < N_CHUNKS:
                if c - 2 >= 0:
                    wait_write(c - 2, (c - 2) % NBUF)
                fire_gather(c + AHEAD, (c + AHEAD) % NBUF)

        for j in range(NBUF):
            step(j, j)

        def body(r, carry):
            c0 = NBUF * r
            for j in range(NBUF):
                c = c0 + j
                wait_gather(c, j)
                fire_write(c, j)
                wait_write(c - 2, (j - 2) % NBUF)
                fire_gather(c + AHEAD, (j + AHEAD) % NBUF)
            return carry

        n_full_rounds = 8
        lax.fori_loop(1, n_full_rounds, body, 0, unroll=False)

        t0 = n_full_rounds * NBUF
        for c in range(t0, N_CHUNKS):
            step(c, c % NBUF)

        for c in range(N_CHUNKS - AHEAD - 2, N_CHUNKS):
            if c >= 0:
                wait_write(c, c % NBUF)

    return k


_gather = _make_gather()


def kernel(x, weight):
    idx = x.reshape(B).astype(jnp.int32)
    out = _gather(weight, idx)
    return out.reshape(x.shape + (D,))

# --- scband reference (transcript-rebuilt; emitter-appended) ---
"""Pipeline reference for scband-lla-mamodel-88991722373406 (READ-ONLY COPY).

The authoritative reference and input builder live on the scoring server;
editing this copy changes nothing except your own understanding.
"""

import jax, jax.numpy as jnp
import numpy as np

VOCAB = 32000
HIDDEN = 2048

def setup_inputs(seed: int = 0) -> dict:
    key = jax.random.key(seed)
    k_idx, k_w = jax.random.split(key)
    x = jax.random.randint(k_idx, (4, 4096), 0, VOCAB, dtype=jnp.int64 if jax.config.jax_enable_x64 else jnp.int32)
    weight = jax.random.normal(k_w, (VOCAB, HIDDEN), dtype=jnp.float32) * (1.0 / HIDDEN) ** 0.5
    return {"x": x, "weight": weight}

def reference(x, weight):
    # LLaMAModel.__call__ -> Embedding.__call__ (is_unembed=False): weight[x]
    return weight[x]

if __name__ == "__main__":
    import jax
    _d = setup_inputs()
    print(jax.jit(kernel)(*tuple(_d.values())))

</pallas_src>

<mosaic_0001>
#map = affine_map<(d0, d1) -> (0, 0)>
#map1 = affine_map<(d0, d1) -> (0)>
module attributes {stable_mosaic.version = 14 : i64} {
  func.func @k(%arg0: i32, %arg1: i32, %arg2: memref<32000x2048xf32, #tpu.memory_space<hbm>>, %arg3: memref<16384xi32, #tpu.memory_space<hbm>>, %arg4: memref<16384x2048xf32, #tpu.memory_space<hbm>>, %arg5: memref<512xi32, #tpu.memory_space<vmem>>, %arg6: memref<8x2048xf32, #tpu.memory_space<vmem>>, %arg7: memref<8x2048xf32, #tpu.memory_space<vmem>>, %arg8: memref<8x2048xf32, #tpu.memory_space<vmem>>, %arg9: memref<8x2048xf32, #tpu.memory_space<vmem>>, %arg10: memref<8x2048xf32, #tpu.memory_space<vmem>>, %arg11: memref<8x2048xf32, #tpu.memory_space<vmem>>, %arg12: memref<8x2048xf32, #tpu.memory_space<vmem>>, %arg13: memref<!tpu.dma_semaphore, #tpu.memory_space<semaphore_mem>>, %arg14: memref<!tpu.dma_semaphore, #tpu.memory_space<semaphore_mem>>, %arg15: memref<!tpu.dma_semaphore, #tpu.memory_space<semaphore_mem>>, %arg16: memref<!tpu.dma_semaphore, #tpu.memory_space<semaphore_mem>>, %arg17: memref<!tpu.dma_semaphore, #tpu.memory_space<semaphore_mem>>, %arg18: memref<!tpu.dma_semaphore, #tpu.memory_space<semaphore_mem>>, %arg19: memref<!tpu.dma_semaphore, #tpu.memory_space<semaphore_mem>>, %arg20: memref<!tpu.dma_semaphore, #tpu.memory_space<semaphore_mem>>, %arg21: memref<!tpu.dma_semaphore, #tpu.memory_space<semaphore_mem>>, %arg22: memref<!tpu.dma_semaphore, #tpu.memory_space<semaphore_mem>>, %arg23: memref<!tpu.dma_semaphore, #tpu.memory_space<semaphore_mem>>, %arg24: memref<!tpu.dma_semaphore, #tpu.memory_space<semaphore_mem>>, %arg25: memref<!tpu.dma_semaphore, #tpu.memory_space<semaphore_mem>>, %arg26: memref<!tpu.dma_semaphore, #tpu.memory_space<semaphore_mem>>) attributes {dimension_semantics = [#tpu.dimension_semantics<core_parallel>, #tpu.dimension_semantics<subcore_parallel>], iteration_bounds = array<i64: 2, 16>, scalar_prefetch = 0 : i64, scratch_operands = 22 : i64, tpu.core_type = #tpu.core_type<sc_vector_subcore>, window_params = [{transform_indices = #map}, {transform_indices = #map1}, {transform_indices = #map}]} {
    %mul3A = arith.constant 2 : i32
    %mul3A_0 = arith.muli %arg1, %mul3A : i32
    %add3A = arith.addi %mul3A_0, %arg0 : i32
    %mul3A_1 = arith.constant 512 : i32
    %mul3A_2 = arith.muli %add3A, %mul3A_1 : i32
    "tpu.region"() ({
      %run_scoped3A = tpu.sem_alloc : memref<!tpu.dma_semaphore, #tpu.memory_space<semaphore_mem>>
      %dma_start3A_336 = tpu.memref_slice %arg3[%mul3A_2] : memref<16384xi32, #tpu.memory_space<hbm>> -> memref<512xi32, #tpu.memory_space<hbm>>
      %dma_start3A_337 = tpu.memref_slice %arg3[%mul3A_2] : memref<16384xi32, #tpu.memory_space<hbm>> -> memref<512xi32, #tpu.memory_space<hbm>>
      tpu.enqueue_dma source(%dma_start3A_337 : memref<512xi32, #tpu.memory_space<hbm>>) target(%arg5 : memref<512xi32, #tpu.memory_space<vmem>>) target_semaphore(%run_scoped3A : memref<!tpu.dma_semaphore, #tpu.memory_space<semaphore_mem>>)
      %dma_wait3A_338 = tpu.memref_slice %arg3[%mul3A_2] : memref<16384xi32, #tpu.memory_space<hbm>> -> memref<512xi32, #tpu.memory_space<hbm>>
      %dma_wait3A_339 = tpu.memref_slice %arg3[%mul3A_2] : memref<16384xi32, #tpu.memory_space<hbm>> -> memref<512xi32, #tpu.memory_space<hbm>>
      tpu.wait_dma2 semaphore(%run_scoped3A : memref<!tpu.dma_semaphore, #tpu.memory_space<semaphore_mem>>) src(%dma_wait3A_339 : memref<512xi32, #tpu.memory_space<hbm>>) dst(%arg5 : memref<512xi32, #tpu.memory_space<vmem>>)
      tpu.yield
    }) : () -> ()
    %dma_start3A = arith.constant 0 : i32
    %dma_start3A_3 = tpu.memref_slice %arg5[%dma_start3A] : memref<512xi32, #tpu.memory_space<vmem>> -> memref<8xi32, #tpu.memory_space<vmem>>
    %dma_start3A_4 = arith.constant 0 : i32
    %dma_start3A_5 = arith.constant 0 : i32
    %dma_start3A_6 = tpu.memref_slice %arg2[%dma_start3A_4, %dma_start3A_5] : memref<32000x2048xf32, #tpu.memory_space<hbm>> -> memref<32000x2048xf32, #tpu.memory_space<hbm>>
    tpu.enqueue_indirect_dma source(%dma_start3A_6 : memref<32000x2048xf32, #tpu.memory_space<hbm>>) target(%arg6 : memref<8x2048xf32, #tpu.memory_space<vmem>>) offsets(%dma_start3A_3 : memref<8xi32, #tpu.memory_space<vmem>>) semaphore(%arg13 : memref<!tpu.dma_semaphore, #tpu.memory_space<semaphore_mem>>)
    %dma_start3A_7 = arith.constant 8 : i32
    %dma_start3A_8 = tpu.memref_slice %arg5[%dma_start3A_7] : memref<512xi32, #tpu.memory_space<vmem>> -> memref<8xi32, #tpu.memory_space<vmem>>
    %dma_start3A_9 = arith.constant 0 : i32
    %dma_start3A_10 = arith.constant 0 : i32
    %dma_start3A_11 = tpu.memref_slice %arg2[%dma_start3A_9, %dma_start3A_10] : memref<32000x2048xf32, #tpu.memory_space<hbm>> -> memref<32000x2048xf32, #tpu.memory_space<hbm>>
    tpu.enqueue_indirect_dma source(%dma_start3A_11 : memref<32000x2048xf32, #tpu.memory_space<hbm>>) target(%arg7 : memref<8x2048xf32, #tpu.memory_space<vmem>>) offsets(%dma_start3A_8 : memref<8xi32, #tpu.memory_space<vmem>>) semaphore(%arg14 : memref<!tpu.dma_semaphore, #tpu.memory_space<semaphore_mem>>)
    %dma_start3A_12 = arith.constant 16 : i32
    %dma_start3A_13 = tpu.memref_slice %arg5[%dma_start3A_12] : memref<512xi32, #tpu.memory_space<vmem>> -> memref<8xi32, #tpu.memory_space<vmem>>
    %dma_start3A_14 = arith.constant 0 : i32
    %dma_start3A_15 = arith.constant 0 : i32
    %dma_start3A_16 = tpu.memref_slice %arg2[%dma_start3A_14, %dma_start3A_15] : memref<32000x2048xf32, #tpu.memory_space<hbm>> -> memref<32000x2048xf32, #tpu.memory_space<hbm>>
    tpu.enqueue_indirect_dma source(%dma_start3A_16 : memref<32000x2048xf32, #tpu.memory_space<hbm>>) target(%arg8 : memref<8x2048xf32, #tpu.memory_space<vmem>>) offsets(%dma_start3A_13 : memref<8xi32, #tpu.memory_space<vmem>>) semaphore(%arg15 : memref<!tpu.dma_semaphore, #tpu.memory_space<semaphore_mem>>)
    %dma_start3A_17 = arith.constant 24 : i32
    %dma_start3A_18 = tpu.memref_slice %arg5[%dma_start3A_17] : memref<512xi32, #tpu.memory_space<vmem>> -> memref<8xi32, #tpu.memory_space<vmem>>
    %dma_start3A_19 = arith.constant 0 : i32
    %dma_start3A_20 = arith.constant 0 : i32
    %dma_start3A_21 = tpu.memref_slice %arg2[%dma_start3A_19, %dma_start3A_20] : memref<32000x2048xf32, #tpu.memory_space<hbm>> -> memref<32000x2048xf32, #tpu.memory_space<hbm>>
    tpu.enqueue_indirect_dma source(%dma_start3A_21 : memref<32000x2048xf32, #tpu.memory_space<hbm>>) target(%arg9 : memref<8x2048xf32, #tpu.memory_space<vmem>>) offsets(%dma_start3A_18 : memref<8xi32, #tpu.memory_space<vmem>>) semaphore(%arg16 : memref<!tpu.dma_semaphore, #tpu.memory_space<semaphore_mem>>)
    %dma_start3A_22 = arith.constant 32 : i32
    %dma_start3A_23 = tpu.memref_slice %arg5[%dma_start3A_22] : memref<512xi32, #tpu.memory_space<vmem>> -> memref<8xi32, #tpu.memory_space<vmem>>
    %dma_start3A_24 = arith.constant 0 : i32
    %dma_start3A_25 = arith.constant 0 : i32
    %dma_start3A_26 = tpu.memref_slice %arg2[%dma_start3A_24, %dma_start3A_25] : memref<32000x2048xf32, #tpu.memory_space<hbm>> -> memref<32000x2048xf32, #tpu.memory_space<hbm>>
    tpu.enqueue_indirect_dma source(%dma_start3A_26 : memref<32000x2048xf32, #tpu.memory_space<hbm>>) target(%arg10 : memref<8x2048xf32, #tpu.memory_space<vmem>>) offsets(%dma_start3A_23 : memref<8xi32, #tpu.memory_space<vmem>>) semaphore(%arg17 : memref<!tpu.dma_semaphore, #tpu.memory_space<semaphore_mem>>)
    %dma_wait3A = arith.constant 0 : i32
    %dma_wait3A_27 = tpu.memref_slice %arg5[%dma_wait3A] : memref<512xi32, #tpu.memory_space<vmem>> -> memref<8xi32, #tpu.memory_space<vmem>>
    %dma_wait3A_28 = arith.constant 0 : i32
    %dma_wait3A_29 = arith.constant 0 : i32
    %dma_wait3A_30 = tpu.memref_slice %arg2[%dma_wait3A_28, %dma_wait3A_29] : memref<32000x2048xf32, #tpu.memory_space<hbm>> -> memref<32000x2048xf32, #tpu.memory_space<hbm>>
    tpu.wait_indirect_dma semaphore(%arg13 : memref<!tpu.dma_semaphore, #tpu.memory_space<semaphore_mem>>) src(%dma_wait3A_30 : memref<32000x2048xf32, #tpu.memory_space<hbm>>) dst(%arg6 : memref<8x2048xf32, #tpu.memory_space<vmem>>)
    %add3A_31 = arith.constant 0 : i32
    %add3A_32 = arith.addi %mul3A_2, %add3A_31 : i32
    %dma_start3A_33 = arith.constant 0 : i32
    %dma_start3A_34 = tpu.memref_slice %arg4[%add3A_32, %dma_start3A_33] : memref<16384x2048xf32, #tpu.memory_space<hbm>> -> memref<8x2048xf32, #tpu.memory_space<hbm>>
    %dma_start3A_35 = arith.constant 0 : i32
    %dma_start3A_36 = tpu.memref_slice %arg4[%add3A_32, %dma_start3A_35] : memref<16384x2048xf32, #tpu.memory_space<hbm>> -> memref<8x2048xf32, #tpu.memory_space<hbm>>
    tpu.enqueue_dma source(%arg6 : memref<8x2048xf32, #tpu.memory_space<vmem>>) target(%dma_start3A_36 : memref<8x2048xf32, #tpu.memory_space<hbm>>) target_semaphore(%arg20 : memref<!tpu.dma_semaphore, #tpu.memory_space<semaphore_mem>>)
    %dma_start3A_37 = arith.constant 40 : i32
    %dma_start3A_38 = tpu.memref_slice %arg5[%dma_start3A_37] : memref<512xi32, #tpu.memory_space<vmem>> -> memref<8xi32, #tpu.memory_space<vmem>>
    %dma_start3A_39 = arith.constant 0 : i32
    %dma_start3A_40 = arith.constant 0 : i32
    %dma_start3A_41 = tpu.memref_slice %arg2[%dma_start3A_39, %dma_start3A_40] : memref<32000x2048xf32, #tpu.memory_space<hbm>> -> memref<32000x2048xf32, #tpu.memory_space<hbm>>
    tpu.enqueue_indirect_dma source(%dma_start3A_41 : memref<32000x2048xf32, #tpu.memory_space<hbm>>) target(%arg11 : memref<8x2048xf32, #tpu.memory_space<vmem>>) offsets(%dma_start3A_38 : memref<8xi32, #tpu.memory_space<vmem>>) semaphore(%arg18 : memref<!tpu.dma_semaphore, #tpu.memory_space<semaphore_mem>>)
    %dma_wait3A_42 = arith.constant 8 : i32
    %dma_wait3A_43 = tpu.memref_slice %arg5[%dma_wait3A_42] : memref<512xi32, #tpu.memory_space<vmem>> -> memref<8xi32, #tpu.memory_space<vmem>>
    %dma_wait3A_44 = arith.constant 0 : i32
    %dma_wait3A_45 = arith.constant 0 : i32
    %dma_wait3A_46 = tpu.memref_slice %arg2[%dma_wait3A_44, %dma_wait3A_45] : memref<32000x2048xf32, #tpu.memory_space<hbm>> -> memref<32000x2048xf32, #tpu.memory_space<hbm>>
    tpu.wait_indirect_dma semaphore(%arg14 : memref<!tpu.dma_semaphore, #tpu.memory_space<semaphore_mem>>) src(%dma_wait3A_46 : memref<32000x2048xf32, #tpu.memory_space<hbm>>) dst(%arg7 : memref<8x2048xf32, #tpu.memory_space<vmem>>)
    %add3A_47 = arith.constant 8 : i32
    %add3A_48 = arith.addi %mul3A_2, %add3A_47 : i32
    %dma_start3A_49 = arith.constant 0 : i32
    %dma_start3A_50 = tpu.memref_slice %arg4[%add3A_48, %dma_start3A_49] : memref<16384x2048xf32, #tpu.memory_space<hbm>> -> memref<8x2048xf32, #tpu.memory_space<hbm>>
    %dma_start3A_51 = arith.constant 0 : i32
    %dma_start3A_52 = tpu.memref_slice %arg4[%add3A_48, %dma_start3A_51] : memref<16384x2048xf32, #tpu.memory_space<hbm>> -> memref<8x2048xf32, #tpu.memory_space<hbm>>
    tpu.enqueue_dma source(%arg7 : memref<8x2048xf32, #tpu.memory_space<vmem>>) target(%dma_start3A_52 : memref<8x2048xf32, #tpu.memory_space<hbm>>) target_semaphore(%arg21 : memref<!tpu.dma_semaphore, #tpu.memory_space<semaphore_mem>>)
    %dma_start3A_53 = arith.constant 48 : i32
    %dma_start3A_54 = tpu.memref_slice %arg5[%dma_start3A_53] : memref<512xi32, #tpu.memory_space<vmem>> -> memref<8xi32, #tpu.memory_space<vmem>>
    %dma_start3A_55 = arith.constant 0 : i32
    %dma_start3A_56 = arith.constant 0 : i32
    %dma_start3A_57 = tpu.memref_slice %arg2[%dma_start3A_55, %dma_start3A_56] : memref<32000x2048xf32, #tpu.memory_space<hbm>> -> memref<32000x2048xf32, #tpu.memory_space<hbm>>
    tpu.enqueue_indirect_dma source(%dma_start3A_57 : memref<32000x2048xf32, #tpu.memory_space<hbm>>) target(%arg12 : memref<8x2048xf32, #tpu.memory_space<vmem>>) offsets(%dma_start3A_54 : memref<8xi32, #tpu.memory_space<vmem>>) semaphore(%arg19 : memref<!tpu.dma_semaphore, #tpu.memory_space<semaphore_mem>>)
    %dma_wait3A_58 = arith.constant 16 : i32
    %dma_wait3A_59 = tpu.memref_slice %arg5[%dma_wait3A_58] : memref<512xi32, #tpu.memory_space<vmem>> -> memref<8xi32, #tpu.memory_space<vmem>>
    %dma_wait3A_60 = arith.constant 0 : i32
    %dma_wait3A_61 = arith.constant 0 : i32
    %dma_wait3A_62 = tpu.memref_slice %arg2[%dma_wait3A_60, %dma_wait3A_61] : memref<32000x2048xf32, #tpu.memory_space<hbm>> -> memref<32000x2048xf32, #tpu.memory_space<hbm>>
    tpu.wait_indirect_dma semaphore(%arg15 : memref<!tpu.dma_semaphore, #tpu.memory_space<semaphore_mem>>) src(%dma_wait3A_62 : memref<32000x2048xf32, #tpu.memory_space<hbm>>) dst(%arg8 : memref<8x2048xf32, #tpu.memory_space<vmem>>)
    %add3A_63 = arith.constant 16 : i32
    %add3A_64 = arith.addi %mul3A_2, %add3A_63 : i32
    %dma_start3A_65 = arith.constant 0 : i32
    %dma_start3A_66 = tpu.memref_slice %arg4[%add3A_64, %dma_start3A_65] : memref<16384x2048xf32, #tpu.memory_space<hbm>> -> memref<8x2048xf32, #tpu.memory_space<hbm>>
    %dma_start3A_67 = arith.constant 0 : i32
    %dma_start3A_68 = tpu.memref_slice %arg4[%add3A_64, %dma_start3A_67] : memref<16384x2048xf32, #tpu.memory_space<hbm>> -> memref<8x2048xf32, #tpu.memory_space<hbm>>
    tpu.enqueue_dma source(%arg8 : memref<8x2048xf32, #tpu.memory_space<vmem>>) target(%dma_start3A_68 : memref<8x2048xf32, #tpu.memory_space<hbm>>) target_semaphore(%arg22 : memref<!tpu.dma_semaphore, #tpu.memory_space<semaphore_mem>>)
    %add3A_69 = arith.constant 0 : i32
    %add3A_70 = arith.addi %mul3A_2, %add3A_69 : i32
    %dma_wait3A_71 = arith.constant 0 : i32
    %dma_wait3A_72 = tpu.memref_slice %arg4[%add3A_70, %dma_wait3A_71] : memref<16384x2048xf32, #tpu.memory_space<hbm>> -> memref<8x2048xf32, #tpu.memory_space<hbm>>
    %dma_wait3A_73 = arith.constant 0 : i32
    %dma_wait3A_74 = tpu.memref_slice %arg4[%add3A_70, %dma_wait3A_73] : memref<16384x2048xf32, #tpu.memory_space<hbm>> -> memref<8x2048xf32, #tpu.memory_space<hbm>>
    tpu.wait_dma2 semaphore(%arg20 : memref<!tpu.dma_semaphore, #tpu.memory_space<semaphore_mem>>) src(%arg6 : memref<8x2048xf32, #tpu.memory_space<vmem>>) dst(%dma_wait3A_74 : memref<8x2048xf32, #tpu.memory_space<hbm>>)
    %dma_start3A_75 = arith.constant 56 : i32
    %dma_start3A_76 = tpu.memref_slice %arg5[%dma_start3A_75] : memref<512xi32, #tpu.memory_space<vmem>> -> memref<8xi32, #tpu.memory_space<vmem>>
    %dma_start3A_77 = arith.constant 0 : i32
    %dma_start3A_78 = arith.constant 0 : i32
    %dma_start3A_79 = tpu.memref_slice %arg2[%dma_start3A_77, %dma_start3A_78] : memref<32000x2048xf32, #tpu.memory_space<hbm>> -> memref<32000x2048xf32, #tpu.memory_space<hbm>>
    tpu.enqueue_indirect_dma source(%dma_start3A_79 : memref<32000x2048xf32, #tpu.memory_space<hbm>>) target(%arg6 : memref<8x2048xf32, #tpu.memory_space<vmem>>) offsets(%dma_start3A_76 : memref<8xi32, #tpu.memory_space<vmem>>) semaphore(%arg13 : memref<!tpu.dma_semaphore, #tpu.memory_space<semaphore_mem>>)
    %dma_wait3A_80 = arith.constant 24 : i32
    %dma_wait3A_81 = tpu.memref_slice %arg5[%dma_wait3A_80] : memref<512xi32, #tpu.memory_space<vmem>> -> memref<8xi32, #tpu.memory_space<vmem>>
    %dma_wait3A_82 = arith.constant 0 : i32
    %dma_wait3A_83 = arith.constant 0 : i32
    %dma_wait3A_84 = tpu.memref_slice %arg2[%dma_wait3A_82, %dma_wait3A_83] : memref<32000x2048xf32, #tpu.memory_space<hbm>> -> memref<32000x2048xf32, #tpu.memory_space<hbm>>
    tpu.wait_indirect_dma semaphore(%arg16 : memref<!tpu.dma_semaphore, #tpu.memory_space<semaphore_mem>>) src(%dma_wait3A_84 : memref<32000x2048xf32, #tpu.memory_space<hbm>>) dst(%arg9 : memref<8x2048xf32, #tpu.memory_space<vmem>>)
    %add3A_85 = arith.constant 24 : i32
    %add3A_86 = arith.addi %mul3A_2, %add3A_85 : i32
    %dma_start3A_87 = arith.constant 0 : i32
    %dma_start3A_88 = tpu.memref_slice %arg4[%add3A_86, %dma_start3A_87] : memref<16384x2048xf32, #tpu.memory_space<hbm>> -> memref<8x2048xf32, #tpu.memory_space<hbm>>
    %dma_start3A_89 = arith.constant 0 : i32
    %dma_start3A_90 = tpu.memref_slice %arg4[%add3A_86, %dma_start3A_89] : memref<16384x2048xf32, #tpu.memory_space<hbm>> -> memref<8x2048xf32, #tpu.memory_space<hbm>>
    tpu.enqueue_dma source(%arg9 : memref<8x2048xf32, #tpu.memory_space<vmem>>) target(%dma_start3A_90 : memref<8x2048xf32, #tpu.memory_space<hbm>>) target_semaphore(%arg23 : memref<!tpu.dma_semaphore, #tpu.memory_space<semaphore_mem>>)
    %add3A_91 = arith.constant 8 : i32
    %add3A_92 = arith.addi %mul3A_2, %add3A_91 : i32
    %dma_wait3A_93 = arith.constant 0 : i32
    %dma_wait3A_94 = tpu.memref_slice %arg4[%add3A_92, %dma_wait3A_93] : memref<16384x2048xf32, #tpu.memory_space<hbm>> -> memref<8x2048xf32, #tpu.memory_space<hbm>>
    %dma_wait3A_95 = arith.constant 0 : i32
    %dma_wait3A_96 = tpu.memref_slice %arg4[%add3A_92, %dma_wait3A_95] : memref<16384x2048xf32, #tpu.memory_space<hbm>> -> memref<8x2048xf32, #tpu.memory_space<hbm>>
    tpu.wait_dma2 semaphore(%arg21 : memref<!tpu.dma_semaphore, #tpu.memory_space<semaphore_mem>>) src(%arg7 : memref<8x2048xf32, #tpu.memory_space<vmem>>) dst(%dma_wait3A_96 : memref<8x2048xf32, #tpu.memory_space<hbm>>)
    %dma_start3A_97 = arith.constant 64 : i32
    %dma_start3A_98 = tpu.memref_slice %arg5[%dma_start3A_97] : memref<512xi32, #tpu.memory_space<vmem>> -> memref<8xi32, #tpu.memory_space<vmem>>
    %dma_start3A_99 = arith.constant 0 : i32
    %dma_start3A_100 = arith.constant 0 : i32
    %dma_start3A_101 = tpu.memref_slice %arg2[%dma_start3A_99, %dma_start3A_100] : memref<32000x2048xf32, #tpu.memory_space<hbm>> -> memref<32000x2048xf32, #tpu.memory_space<hbm>>
    tpu.enqueue_indirect_dma source(%dma_start3A_101 : memref<32000x2048xf32, #tpu.memory_space<hbm>>) target(%arg7 : memref<8x2048xf32, #tpu.memory_space<vmem>>) offsets(%dma_start3A_98 : memref<8xi32, #tpu.memory_space<vmem>>) semaphore(%arg14 : memref<!tpu.dma_semaphore, #tpu.memory_space<semaphore_mem>>)
    %dma_wait3A_102 = arith.constant 32 : i32
    %dma_wait3A_103 = tpu.memref_slice %arg5[%dma_wait3A_102] : memref<512xi32, #tpu.memory_space<vmem>> -> memref<8xi32, #tpu.memory_space<vmem>>
    %dma_wait3A_104 = arith.constant 0 : i32
    %dma_wait3A_105 = arith.constant 0 : i32
    %dma_wait3A_106 = tpu.memref_slice %arg2[%dma_wait3A_104, %dma_wait3A_105] : memref<32000x2048xf32, #tpu.memory_space<hbm>> -> memref<32000x2048xf32, #tpu.memory_space<hbm>>
    tpu.wait_indirect_dma semaphore(%arg17 : memref<!tpu.dma_semaphore, #tpu.memory_space<semaphore_mem>>) src(%dma_wait3A_106 : memref<32000x2048xf32, #tpu.memory_space<hbm>>) dst(%arg10 : memref<8x2048xf32, #tpu.memory_space<vmem>>)
    %add3A_107 = arith.constant 32 : i32
    %add3A_108 = arith.addi %mul3A_2, %add3A_107 : i32
    %dma_start3A_109 = arith.constant 0 : i32
    %dma_start3A_110 = tpu.memref_slice %arg4[%add3A_108, %dma_start3A_109] : memref<16384x2048xf32, #tpu.memory_space<hbm>> -> memref<8x2048xf32, #tpu.memory_space<hbm>>
    %dma_start3A_111 = arith.constant 0 : i32
    %dma_start3A_112 = tpu.memref_slice %arg4[%add3A_108, %dma_start3A_111] : memref<16384x2048xf32, #tpu.memory_space<hbm>> -> memref<8x2048xf32, #tpu.memory_space<hbm>>
    tpu.enqueue_dma source(%arg10 : memref<8x2048xf32, #tpu.memory_space<vmem>>) target(%dma_start3A_112 : memref<8x2048xf32, #tpu.memory_space<hbm>>) target_semaphore(%arg24 : memref<!tpu.dma_semaphore, #tpu.memory_space<semaphore_mem>>)
    %add3A_113 = arith.constant 16 : i32
    %add3A_114 = arith.addi %mul3A_2, %add3A_113 : i32
    %dma_wait3A_115 = arith.constant 0 : i32
    %dma_wait3A_116 = tpu.memref_slice %arg4[%add3A_114, %dma_wait3A_115] : memref<16384x2048xf32, #tpu.memory_space<hbm>> -> memref<8x2048xf32, #tpu.memory_space<hbm>>
    %dma_wait3A_117 = arith.constant 0 : i32
    %dma_wait3A_118 = tpu.memref_slice %arg4[%add3A_114, %dma_wait3A_117] : memref<16384x2048xf32, #tpu.memory_space<hbm>> -> memref<8x2048xf32, #tpu.memory_space<hbm>>
    tpu.wait_dma2 semaphore(%arg22 : memref<!tpu.dma_semaphore, #tpu.memory_space<semaphore_mem>>) src(%arg8 : memref<8x2048xf32, #tpu.memory_space<vmem>>) dst(%dma_wait3A_118 : memref<8x2048xf32, #tpu.memory_space<hbm>>)
    %dma_start3A_119 = arith.constant 72 : i32
    %dma_start3A_120 = tpu.memref_slice %arg5[%dma_start3A_119] : memref<512xi32, #tpu.memory_space<vmem>> -> memref<8xi32, #tpu.memory_space<vmem>>
    %dma_start3A_121 = arith.constant 0 : i32
    %dma_start3A_122 = arith.constant 0 : i32
    %dma_start3A_123 = tpu.memref_slice %arg2[%dma_start3A_121, %dma_start3A_122] : memref<32000x2048xf32, #tpu.memory_space<hbm>> -> memref<32000x2048xf32, #tpu.memory_space<hbm>>
    tpu.enqueue_indirect_dma source(%dma_start3A_123 : memref<32000x2048xf32, #tpu.memory_space<hbm>>) target(%arg8 : memref<8x2048xf32, #tpu.memory_space<vmem>>) offsets(%dma_start3A_120 : memref<8xi32, #tpu.memory_space<vmem>>) semaphore(%arg15 : memref<!tpu.dma_semaphore, #tpu.memory_space<semaphore_mem>>)
    %dma_wait3A_124 = arith.constant 40 : i32
    %dma_wait3A_125 = tpu.memref_slice %arg5[%dma_wait3A_124] : memref<512xi32, #tpu.memory_space<vmem>> -> memref<8xi32, #tpu.memory_space<vmem>>
    %dma_wait3A_126 = arith.constant 0 : i32
    %dma_wait3A_127 = arith.constant 0 : i32
    %dma_wait3A_128 = tpu.memref_slice %arg2[%dma_wait3A_126, %dma_wait3A_127] : memref<32000x2048xf32, #tpu.memory_space<hbm>> -> memref<32000x2048xf32, #tpu.memory_space<hbm>>
    tpu.wait_indirect_dma semaphore(%arg18 : memref<!tpu.dma_semaphore, #tpu.memory_space<semaphore_mem>>) src(%dma_wait3A_128 : memref<32000x2048xf32, #tpu.memory_space<hbm>>) dst(%arg11 : memref<8x2048xf32, #tpu.memory_space<vmem>>)
    %add3A_129 = arith.constant 40 : i32
    %add3A_130 = arith.addi %mul3A_2, %add3A_129 : i32
    %dma_start3A_131 = arith.constant 0 : i32
    %dma_start3A_132 = tpu.memref_slice %arg4[%add3A_130, %dma_start3A_131] : memref<16384x2048xf32, #tpu.memory_space<hbm>> -> memref<8x2048xf32, #tpu.memory_space<hbm>>
    %dma_start3A_133 = arith.constant 0 : i32
    %dma_start3A_134 = tpu.memref_slice %arg4[%add3A_130, %dma_start3A_133] : memref<16384x2048xf32, #tpu.memory_space<hbm>> -> memref<8x2048xf32, #tpu.memory_space<hbm>>
    tpu.enqueue_dma source(%arg11 : memref<8x2048xf32, #tpu.memory_space<vmem>>) target(%dma_start3A_134 : memref<8x2048xf32, #tpu.memory_space<hbm>>) target_semaphore(%arg25 : memref<!tpu.dma_semaphore, #tpu.memory_space<semaphore_mem>>)
    %add3A_135 = arith.constant 24 : i32
    %add3A_136 = arith.addi %mul3A_2, %add3A_135 : i32
    %dma_wait3A_137 = arith.constant 0 : i32
    %dma_wait3A_138 = tpu.memref_slice %arg4[%add3A_136, %dma_wait3A_137] : memref<16384x2048xf32, #tpu.memory_space<hbm>> -> memref<8x2048xf32, #tpu.memory_space<hbm>>
    %dma_wait3A_139 = arith.constant 0 : i32
    %dma_wait3A_140 = tpu.memref_slice %arg4[%add3A_136, %dma_wait3A_139] : memref<16384x2048xf32, #tpu.memory_space<hbm>> -> memref<8x2048xf32, #tpu.memory_space<hbm>>
    tpu.wait_dma2 semaphore(%arg23 : memref<!tpu.dma_semaphore, #tpu.memory_space<semaphore_mem>>) src(%arg9 : memref<8x2048xf32, #tpu.memory_space<vmem>>) dst(%dma_wait3A_140 : memref<8x2048xf32, #tpu.memory_space<hbm>>)
    %dma_start3A_141 = arith.constant 80 : i32
    %dma_start3A_142 = tpu.memref_slice %arg5[%dma_start3A_141] : memref<512xi32, #tpu.memory_space<vmem>> -> memref<8xi32, #tpu.memory_space<vmem>>
    %dma_start3A_143 = arith.constant 0 : i32
    %dma_start3A_144 = arith.constant 0 : i32
    %dma_start3A_145 = tpu.memref_slice %arg2[%dma_start3A_143, %dma_start3A_144] : memref<32000x2048xf32, #tpu.memory_space<hbm>> -> memref<32000x2048xf32, #tpu.memory_space<hbm>>
    tpu.enqueue_indirect_dma source(%dma_start3A_145 : memref<32000x2048xf32, #tpu.memory_space<hbm>>) target(%arg9 : memref<8x2048xf32, #tpu.memory_space<vmem>>) offsets(%dma_start3A_142 : memref<8xi32, #tpu.memory_space<vmem>>) semaphore(%arg16 : memref<!tpu.dma_semaphore, #tpu.memory_space<semaphore_mem>>)
    %dma_wait3A_146 = arith.constant 48 : i32
    %dma_wait3A_147 = tpu.memref_slice %arg5[%dma_wait3A_146] : memref<512xi32, #tpu.memory_space<vmem>> -> memref<8xi32, #tpu.memory_space<vmem>>
    %dma_wait3A_148 = arith.constant 0 : i32
    %dma_wait3A_149 = arith.constant 0 : i32
    %dma_wait3A_150 = tpu.memref_slice %arg2[%dma_wait3A_148, %dma_wait3A_149] : memref<32000x2048xf32, #tpu.memory_space<hbm>> -> memref<32000x2048xf32, #tpu.memory_space<hbm>>
    tpu.wait_indirect_dma semaphore(%arg19 : memref<!tpu.dma_semaphore, #tpu.memory_space<semaphore_mem>>) src(%dma_wait3A_150 : memref<32000x2048xf32, #tpu.memory_space<hbm>>) dst(%arg12 : memref<8x2048xf32, #tpu.memory_space<vmem>>)
    %add3A_151 = arith.constant 48 : i32
    %add3A_152 = arith.addi %mul3A_2, %add3A_151 : i32
    %dma_start3A_153 = arith.constant 0 : i32
    %dma_start3A_154 = tpu.memref_slice %arg4[%add3A_152, %dma_start3A_153] : memref<16384x2048xf32, #tpu.memory_space<hbm>> -> memref<8x2048xf32, #tpu.memory_space<hbm>>
    %dma_start3A_155 = arith.constant 0 : i32
    %dma_start3A_156 = tpu.memref_slice %arg4[%add3A_152, %dma_start3A_155] : memref<16384x2048xf32, #tpu.memory_space<hbm>> -> memref<8x2048xf32, #tpu.memory_space<hbm>>
    tpu.enqueue_dma source(%arg12 : memref<8x2048xf32, #tpu.memory_space<vmem>>) target(%dma_start3A_156 : memref<8x2048xf32, #tpu.memory_space<hbm>>) target_semaphore(%arg26 : memref<!tpu.dma_semaphore, #tpu.memory_space<semaphore_mem>>)
    %add3A_157 = arith.constant 32 : i32
    %add3A_158 = arith.addi %mul3A_2, %add3A_157 : i32
    %dma_wait3A_159 = arith.constant 0 : i32
    %dma_wait3A_160 = tpu.memref_slice %arg4[%add3A_158, %dma_wait3A_159] : memref<16384x2048xf32, #tpu.memory_space<hbm>> -> memref<8x2048xf32, #tpu.memory_space<hbm>>
    %dma_wait3A_161 = arith.constant 0 : i32
    %dma_wait3A_162 = tpu.memref_slice %arg4[%add3A_158, %dma_wait3A_161] : memref<16384x2048xf32, #tpu.memory_space<hbm>> -> memref<8x2048xf32, #tpu.memory_space<hbm>>
    tpu.wait_dma2 semaphore(%arg24 : memref<!tpu.dma_semaphore, #tpu.memory_space<semaphore_mem>>) src(%arg10 : memref<8x2048xf32, #tpu.memory_space<vmem>>) dst(%dma_wait3A_162 : memref<8x2048xf32, #tpu.memory_space<hbm>>)
    %dma_start3A_163 = arith.constant 88 : i32
    %dma_start3A_164 = tpu.memref_slice %arg5[%dma_start3A_163] : memref<512xi32, #tpu.memory_space<vmem>> -> memref<8xi32, #tpu.memory_space<vmem>>
    %dma_start3A_165 = arith.constant 0 : i32
    %dma_start3A_166 = arith.constant 0 : i32
    %dma_start3A_167 = tpu.memref_slice %arg2[%dma_start3A_165, %dma_start3A_166] : memref<32000x2048xf32, #tpu.memory_space<hbm>> -> memref<32000x2048xf32, #tpu.memory_space<hbm>>
    tpu.enqueue_indirect_dma source(%dma_start3A_167 : memref<32000x2048xf32, #tpu.memory_space<hbm>>) target(%arg10 : memref<8x2048xf32, #tpu.memory_space<vmem>>) offsets(%dma_start3A_164 : memref<8xi32, #tpu.memory_space<vmem>>) semaphore(%arg17 : memref<!tpu.dma_semaphore, #tpu.memory_space<semaphore_mem>>)
    %scan3A = arith.constant 0 : i32
    %scan3A_168 = arith.constant 1 : i32
    %scan3A_169 = arith.constant 7 : i32
    %scan3A_170 = arith.addi %scan3A_168, %scan3A_169 : i32
    %scan3A_171 = arith.constant 1 : i32
    scf.for %scan3A_336 = %scan3A_168 to %scan3A_170 step %scan3A_171  : i32 {
      %mul3A_337 = arith.constant 7 : i32
      %mul3A_338 = arith.muli %mul3A_337, %scan3A_336 : i32
      %add3A_339 = arith.constant 0 : i32
      %add3A_340 = arith.addi %mul3A_338, %add3A_339 : i32
      %mul3A_341 = arith.constant 8 : i32
      %mul3A_342 = arith.muli %add3A_340, %mul3A_341 : i32
      %dma_wait3A_343 = tpu.memref_slice %arg5[%mul3A_342] : memref<512xi32, #tpu.memory_space<vmem>> -> memref<8xi32, #tpu.memory_space<vmem>>
      %dma_wait3A_344 = arith.constant 0 : i32
      %dma_wait3A_345 = arith.constant 0 : i32
      %dma_wait3A_346 = tpu.memref_slice %arg2[%dma_wait3A_344, %dma_wait3A_345] : memref<32000x2048xf32, #tpu.memory_space<hbm>> -> memref<32000x2048xf32, #tpu.memory_space<hbm>>
      tpu.wait_indirect_dma semaphore(%arg13 : memref<!tpu.dma_semaphore, #tpu.memory_space<semaphore_mem>>) src(%dma_wait3A_346 : memref<32000x2048xf32, #tpu.memory_space<hbm>>) dst(%arg6 : memref<8x2048xf32, #tpu.memory_space<vmem>>)
      %mul3A_347 = arith.constant 8 : i32
      %mul3A_348 = arith.muli %add3A_340, %mul3A_347 : i32
      %add3A_349 = arith.addi %mul3A_2, %mul3A_348 : i32
      %dma_start3A_350 = arith.constant 0 : i32
      %dma_start3A_351 = tpu.memref_slice %arg4[%add3A_349, %dma_start3A_350] : memref<16384x2048xf32, #tpu.memory_space<hbm>> -> memref<8x2048xf32, #tpu.memory_space<hbm>>
      %dma_start3A_352 = arith.constant 0 : i32
      %dma_start3A_353 = tpu.memref_slice %arg4[%add3A_349, %dma_start3A_352] : memref<16384x2048xf32, #tpu.memory_space<hbm>> -> memref<8x2048xf32, #tpu.memory_space<hbm>>
      tpu.enqueue_dma source(%arg6 : memref<8x2048xf32, #tpu.memory_space<vmem>>) target(%dma_start3A_353 : memref<8x2048xf32, #tpu.memory_space<hbm>>) target_semaphore(%arg20 : memref<!tpu.dma_semaphore, #tpu.memory_space<semaphore_mem>>)
      %sub3A = arith.constant 2 : i32
      %sub3A_354 = arith.subi %add3A_340, %sub3A : i32
      %mul3A_355 = arith.constant 8 : i32
      %mul3A_356 = arith.muli %sub3A_354, %mul3A_355 : i32
      %add3A_357 = arith.addi %mul3A_2, %mul3A_356 : i32
      %dma_wait3A_358 = arith.constant 0 : i32
      %dma_wait3A_359 = tpu.memref_slice %arg4[%add3A_357, %dma_wait3A_358] : memref<16384x2048xf32, #tpu.memory_space<hbm>> -> memref<8x2048xf32, #tpu.memory_space<hbm>>
      %dma_wait3A_360 = arith.constant 0 : i32
      %dma_wait3A_361 = tpu.memref_slice %arg4[%add3A_357, %dma_wait3A_360] : memref<16384x2048xf32, #tpu.memory_space<hbm>> -> memref<8x2048xf32, #tpu.memory_space<hbm>>
      tpu.wait_dma2 semaphore(%arg25 : memref<!tpu.dma_semaphore, #tpu.memory_space<semaphore_mem>>) src(%arg11 : memref<8x2048xf32, #tpu.memory_space<vmem>>) dst(%dma_wait3A_361 : memref<8x2048xf32, #tpu.memory_space<hbm>>)
      %add3A_362 = arith.constant 5 : i32
      %add3A_363 = arith.addi %add3A_340, %add3A_362 : i32
      %mul3A_364 = arith.constant 8 : i32
      %mul3A_365 = arith.muli %add3A_363, %mul3A_364 : i32
      %dma_start3A_366 = tpu.memref_slice %arg5[%mul3A_365] : memref<512xi32, #tpu.memory_space<vmem>> -> memref<8xi32, #tpu.memory_space<vmem>>
      %dma_start3A_367 = arith.constant 0 : i32
      %dma_start3A_368 = arith.constant 0 : i32
      %dma_start3A_369 = tpu.memref_slice %arg2[%dma_start3A_367, %dma_start3A_368] : memref<32000x2048xf32, #tpu.memory_space<hbm>> -> memref<32000x2048xf32, #tpu.memory_space<hbm>>
      tpu.enqueue_indirect_dma source(%dma_start3A_369 : memref<32000x2048xf32, #tpu.memory_space<hbm>>) target(%arg11 : memref<8x2048xf32, #tpu.memory_space<vmem>>) offsets(%dma_start3A_366 : memref<8xi32, #tpu.memory_space<vmem>>) semaphore(%arg18 : memref<!tpu.dma_semaphore, #tpu.memory_space<semaphore_mem>>)
      %add3A_370 = arith.constant 1 : i32
      %add3A_371 = arith.addi %mul3A_338, %add3A_370 : i32
      %mul3A_372 = arith.constant 8 : i32
      %mul3A_373 = arith.muli %add3A_371, %mul3A_372 : i32
      %dma_wait3A_374 = tpu.memref_slice %arg5[%mul3A_373] : memref<512xi32, #tpu.memory_space<vmem>> -> memref<8xi32, #tpu.memory_space<vmem>>
      %dma_wait3A_375 = arith.constant 0 : i32
      %dma_wait3A_376 = arith.constant 0 : i32
      %dma_wait3A_377 = tpu.memref_slice %arg2[%dma_wait3A_375, %dma_wait3A_376] : memref<32000x2048xf32, #tpu.memory_space<hbm>> -> memref<32000x2048xf32, #tpu.memory_space<hbm>>
      tpu.wait_indirect_dma semaphore(%arg14 : memref<!tpu.dma_semaphore, #tpu.memory_space<semaphore_mem>>) src(%dma_wait3A_377 : memref<32000x2048xf32, #tpu.memory_space<hbm>>) dst(%arg7 : memref<8x2048xf32, #tpu.memory_space<vmem>>)
      %mul3A_378 = arith.constant 8 : i32
      %mul3A_379 = arith.muli %add3A_371, %mul3A_378 : i32
      %add3A_380 = arith.addi %mul3A_2, %mul3A_379 : i32
      %dma_start3A_381 = arith.constant 0 : i32
      %dma_start3A_382 = tpu.memref_slice %arg4[%add3A_380, %dma_start3A_381] : memref<16384x2048xf32, #tpu.memory_space<hbm>> -> memref<8x2048xf32, #tpu.memory_space<hbm>>
      %dma_start3A_383 = arith.constant 0 : i32
      %dma_start3A_384 = tpu.memref_slice %arg4[%add3A_380, %dma_start3A_383] : memref<16384x2048xf32, #tpu.memory_space<hbm>> -> memref<8x2048xf32, #tpu.memory_space<hbm>>
      tpu.enqueue_dma source(%arg7 : memref<8x2048xf32, #tpu.memory_space<vmem>>) target(%dma_start3A_384 : memref<8x2048xf32, #tpu.memory_space<hbm>>) target_semaphore(%arg21 : memref<!tpu.dma_semaphore, #tpu.memory_space<semaphore_mem>>)
      %sub3A_385 = arith.constant 2 : i32
      %sub3A_386 = arith.subi %add3A_371, %sub3A_385 : i32
      %mul3A_387 = arith.constant 8 : i32
      %mul3A_388 = arith.muli %sub3A_386, %mul3A_387 : i32
      %add3A_389 = arith.addi %mul3A_2, %mul3A_388 : i32
      %dma_wait3A_390 = arith.constant 0 : i32
      %dma_wait3A_391 = tpu.memref_slice %arg4[%add3A_389, %dma_wait3A_390] : memref<16384x2048xf32, #tpu.memory_space<hbm>> -> memref<8x2048xf32, #tpu.memory_space<hbm>>
      %dma_wait3A_392 = arith.constant 0 : i32
      %dma_wait3A_393 = tpu.memref_slice %arg4[%add3A_389, %dma_wait3A_392] : memref<16384x2048xf32, #tpu.memory_space<hbm>> -> memref<8x2048xf32, #tpu.memory_space<hbm>>
      tpu.wait_dma2 semaphore(%arg26 : memref<!tpu.dma_semaphore, #tpu.memory_space<semaphore_mem>>) src(%arg12 : memref<8x2048xf32, #tpu.memory_space<vmem>>) dst(%dma_wait3A_393 : memref<8x2048xf32, #tpu.memory_space<hbm>>)
      %add3A_394 = arith.constant 5 : i32
      %add3A_395 = arith.addi %add3A_371, %add3A_394 : i32
      %mul3A_396 = arith.constant 8 : i32
      %mul3A_397 = arith.muli %add3A_395, %mul3A_396 : i32
      %dma_start3A_398 = tpu.memref_slice %arg5[%mul3A_397] : memref<512xi32, #tpu.memory_space<vmem>> -> memref<8xi32, #tpu.memory_space<vmem>>
      %dma_start3A_399 = arith.constant 0 : i32
      %dma_start3A_400 = arith.constant 0 : i32
      %dma_start3A_401 = tpu.memref_slice %arg2[%dma_start3A_399, %dma_start3A_400] : memref<32000x2048xf32, #tpu.memory_space<hbm>> -> memref<32000x2048xf32, #tpu.memory_space<hbm>>
      tpu.enqueue_indirect_dma source(%dma_start3A_401 : memref<32000x2048xf32, #tpu.memory_space<hbm>>) target(%arg12 : memref<8x2048xf32, #tpu.memory_space<vmem>>) offsets(%dma_start3A_398 : memref<8xi32, #tpu.memory_space<vmem>>) semaphore(%arg19 : memref<!tpu.dma_semaphore, #tpu.memory_space<semaphore_mem>>)
      %add3A_402 = arith.constant 2 : i32
      %add3A_403 = arith.addi %mul3A_338, %add3A_402 : i32
      %mul3A_404 = arith.constant 8 : i32
      %mul3A_405 = arith.muli %add3A_403, %mul3A_404 : i32
      %dma_wait3A_406 = tpu.memref_slice %arg5[%mul3A_405] : memref<512xi32, #tpu.memory_space<vmem>> -> memref<8xi32, #tpu.memory_space<vmem>>
      %dma_wait3A_407 = arith.constant 0 : i32
      %dma_wait3A_408 = arith.constant 0 : i32
      %dma_wait3A_409 = tpu.memref_slice %arg2[%dma_wait3A_407, %dma_wait3A_408] : memref<32000x2048xf32, #tpu.memory_space<hbm>> -> memref<32000x2048xf32, #tpu.memory_space<hbm>>
      tpu.wait_indirect_dma semaphore(%arg15 : memref<!tpu.dma_semaphore, #tpu.memory_space<semaphore_mem>>) src(%dma_wait3A_409 : memref<32000x2048xf32, #tpu.memory_space<hbm>>) dst(%arg8 : memref<8x2048xf32, #tpu.memory_space<vmem>>)
      %mul3A_410 = arith.constant 8 : i32
      %mul3A_411 = arith.muli %add3A_403, %mul3A_410 : i32
      %add3A_412 = arith.addi %mul3A_2, %mul3A_411 : i32
      %dma_start3A_413 = arith.constant 0 : i32
      %dma_start3A_414 = tpu.memref_slice %arg4[%add3A_412, %dma_start3A_413] : memref<16384x2048xf32, #tpu.memory_space<hbm>> -> memref<8x2048xf32, #tpu.memory_space<hbm>>
      %dma_start3A_415 = arith.constant 0 : i32
      %dma_start3A_416 = tpu.memref_slice %arg4[%add3A_412, %dma_start3A_415] : memref<16384x2048xf32, #tpu.memory_space<hbm>> -> memref<8x2048xf32, #tpu.memory_space<hbm>>
      tpu.enqueue_dma source(%arg8 : memref<8x2048xf32, #tpu.memory_space<vmem>>) target(%dma_start3A_416 : memref<8x2048xf32, #tpu.memory_space<hbm>>) target_semaphore(%arg22 : memref<!tpu.dma_semaphore, #tpu.memory_space<semaphore_mem>>)
      %sub3A_417 = arith.constant 2 : i32
      %sub3A_418 = arith.subi %add3A_403, %sub3A_417 : i32
      %mul3A_419 = arith.constant 8 : i32
      %mul3A_420 = arith.muli %sub3A_418, %mul3A_419 : i32
      %add3A_421 = arith.addi %mul3A_2, %mul3A_420 : i32
      %dma_wait3A_422 = arith.constant 0 : i32
      %dma_wait3A_423 = tpu.memref_slice %arg4[%add3A_421, %dma_wait3A_422] : memref<16384x2048xf32, #tpu.memory_space<hbm>> -> memref<8x2048xf32, #tpu.memory_space<hbm>>
      %dma_wait3A_424 = arith.constant 0 : i32
      %dma_wait3A_425 = tpu.memref_slice %arg4[%add3A_421, %dma_wait3A_424] : memref<16384x2048xf32, #tpu.memory_space<hbm>> -> memref<8x2048xf32, #tpu.memory_space<hbm>>
      tpu.wait_dma2 semaphore(%arg20 : memref<!tpu.dma_semaphore, #tpu.memory_space<semaphore_mem>>) src(%arg6 : memref<8x2048xf32, #tpu.memory_space<vmem>>) dst(%dma_wait3A_425 : memref<8x2048xf32, #tpu.memory_space<hbm>>)
      %add3A_426 = arith.constant 5 : i32
      %add3A_427 = arith.addi %add3A_403, %add3A_426 : i32
      %mul3A_428 = arith.constant 8 : i32
      %mul3A_429 = arith.muli %add3A_427, %mul3A_428 : i32
      %dma_start3A_430 = tpu.memref_slice %arg5[%mul3A_429] : memref<512xi32, #tpu.memory_space<vmem>> -> memref<8xi32, #tpu.memory_space<vmem>>
      %dma_start3A_431 = arith.constant 0 : i32
      %dma_start3A_432 = arith.constant 0 : i32
      %dma_start3A_433 = tpu.memref_slice %arg2[%dma_start3A_431, %dma_start3A_432] : memref<32000x2048xf32, #tpu.memory_space<hbm>> -> memref<32000x2048xf32, #tpu.memory_space<hbm>>
      tpu.enqueue_indirect_dma source(%dma_start3A_433 : memref<32000x2048xf32, #tpu.memory_space<hbm>>) target(%arg6 : memref<8x2048xf32, #tpu.memory_space<vmem>>) offsets(%dma_start3A_430 : memref<8xi32, #tpu.memory_space<vmem>>) semaphore(%arg13 : memref<!tpu.dma_semaphore, #tpu.memory_space<semaphore_mem>>)
      %add3A_434 = arith.constant 3 : i32
      %add3A_435 = arith.addi %mul3A_338, %add3A_434 : i32
      %mul3A_436 = arith.constant 8 : i32
      %mul3A_437 = arith.muli %add3A_435, %mul3A_436 : i32
      %dma_wait3A_438 = tpu.memref_slice %arg5[%mul3A_437] : memref<512xi32, #tpu.memory_space<vmem>> -> memref<8xi32, #tpu.memory_space<vmem>>
      %dma_wait3A_439 = arith.constant 0 : i32
      %dma_wait3A_440 = arith.constant 0 : i32
      %dma_wait3A_441 = tpu.memref_slice %arg2[%dma_wait3A_439, %dma_wait3A_440] : memref<32000x2048xf32, #tpu.memory_space<hbm>> -> memref<32000x2048xf32, #tpu.memory_space<hbm>>
      tpu.wait_indirect_dma semaphore(%arg16 : memref<!tpu.dma_semaphore, #tpu.memory_space<semaphore_mem>>) src(%dma_wait3A_441 : memref<32000x2048xf32, #tpu.memory_space<hbm>>) dst(%arg9 : memref<8x2048xf32, #tpu.memory_space<vmem>>)
      %mul3A_442 = arith.constant 8 : i32
      %mul3A_443 = arith.muli %add3A_435, %mul3A_442 : i32
      %add3A_444 = arith.addi %mul3A_2, %mul3A_443 : i32
      %dma_start3A_445 = arith.constant 0 : i32
      %dma_start3A_446 = tpu.memref_slice %arg4[%add3A_444, %dma_start3A_445] : memref<16384x2048xf32, #tpu.memory_space<hbm>> -> memref<8x2048xf32, #tpu.memory_space<hbm>>
      %dma_start3A_447 = arith.constant 0 : i32
      %dma_start3A_448 = tpu.memref_slice %arg4[%add3A_444, %dma_start3A_447] : memref<16384x2048xf32, #tpu.memory_space<hbm>> -> memref<8x2048xf32, #tpu.memory_space<hbm>>
      tpu.enqueue_dma source(%arg9 : memref<8x2048xf32, #tpu.memory_space<vmem>>) target(%dma_start3A_448 : memref<8x2048xf32, #tpu.memory_space<hbm>>) target_semaphore(%arg23 : memref<!tpu.dma_semaphore, #tpu.memory_space<semaphore_mem>>)
      %sub3A_449 = arith.constant 2 : i32
      %sub3A_450 = arith.subi %add3A_435, %sub3A_449 : i32
      %mul3A_451 = arith.constant 8 : i32
      %mul3A_452 = arith.muli %sub3A_450, %mul3A_451 : i32
      %add3A_453 = arith.addi %mul3A_2, %mul3A_452 : i32
      %dma_wait3A_454 = arith.constant 0 : i32
      %dma_wait3A_455 = tpu.memref_slice %arg4[%add3A_453, %dma_wait3A_454] : memref<16384x2048xf32, #tpu.memory_space<hbm>> -> memref<8x2048xf32, #tpu.memory_space<hbm>>
      %dma_wait3A_456 = arith.constant 0 : i32
      %dma_wait3A_457 = tpu.memref_slice %arg4[%add3A_453, %dma_wait3A_456] : memref<16384x2048xf32, #tpu.memory_space<hbm>> -> memref<8x2048xf32, #tpu.memory_space<hbm>>
      tpu.wait_dma2 semaphore(%arg21 : memref<!tpu.dma_semaphore, #tpu.memory_space<semaphore_mem>>) src(%arg7 : memref<8x2048xf32, #tpu.memory_space<vmem>>) dst(%dma_wait3A_457 : memref<8x2048xf32, #tpu.memory_space<hbm>>)
      %add3A_458 = arith.constant 5 : i32
      %add3A_459 = arith.addi %add3A_435, %add3A_458 : i32
      %mul3A_460 = arith.constant 8 : i32
      %mul3A_461 = arith.muli %add3A_459, %mul3A_460 : i32
      %dma_start3A_462 = tpu.memref_slice %arg5[%mul3A_461] : memref<512xi32, #tpu.memory_space<vmem>> -> memref<8xi32, #tpu.memory_space<vmem>>
      %dma_start3A_463 = arith.constant 0 : i32
      %dma_start3A_464 = arith.constant 0 : i32
      %dma_start3A_465 = tpu.memref_slice %arg2[%dma_start3A_463, %dma_start3A_464] : memref<32000x2048xf32, #tpu.memory_space<hbm>> -> memref<32000x2048xf32, #tpu.memory_space<hbm>>
      tpu.enqueue_indirect_dma source(%dma_start3A_465 : memref<32000x2048xf32, #tpu.memory_space<hbm>>) target(%arg7 : memref<8x2048xf32, #tpu.memory_space<vmem>>) offsets(%dma_start3A_462 : memref<8xi32, #tpu.memory_space<vmem>>) semaphore(%arg14 : memref<!tpu.dma_semaphore, #tpu.memory_space<semaphore_mem>>)
      %add3A_466 = arith.constant 4 : i32
      %add3A_467 = arith.addi %mul3A_338, %add3A_466 : i32
      %mul3A_468 = arith.constant 8 : i32
      %mul3A_469 = arith.muli %add3A_467, %mul3A_468 : i32
      %dma_wait3A_470 = tpu.memref_slice %arg5[%mul3A_469] : memref<512xi32, #tpu.memory_space<vmem>> -> memref<8xi32, #tpu.memory_space<vmem>>
      %dma_wait3A_471 = arith.constant 0 : i32
      %dma_wait3A_472 = arith.constant 0 : i32
      %dma_wait3A_473 = tpu.memref_slice %arg2[%dma_wait3A_471, %dma_wait3A_472] : memref<32000x2048xf32, #tpu.memory_space<hbm>> -> memref<32000x2048xf32, #tpu.memory_space<hbm>>
      tpu.wait_indirect_dma semaphore(%arg17 : memref<!tpu.dma_semaphore, #tpu.memory_space<semaphore_mem>>) src(%dma_wait3A_473 : memref<32000x2048xf32, #tpu.memory_space<hbm>>) dst(%arg10 : memref<8x2048xf32, #tpu.memory_space<vmem>>)
      %mul3A_474 = arith.constant 8 : i32
      %mul3A_475 = arith.muli %add3A_467, %mul3A_474 : i32
      %add3A_476 = arith.addi %mul3A_2, %mul3A_475 : i32
      %dma_start3A_477 = arith.constant 0 : i32
      %dma_start3A_478 = tpu.memref_slice %arg4[%add3A_476, %dma_start3A_477] : memref<16384x2048xf32, #tpu.memory_space<hbm>> -> memref<8x2048xf32, #tpu.memory_space<hbm>>
      %dma_start3A_479 = arith.constant 0 : i32
      %dma_start3A_480 = tpu.memref_slice %arg4[%add3A_476, %dma_start3A_479] : memref<16384x2048xf32, #tpu.memory_space<hbm>> -> memref<8x2048xf32, #tpu.memory_space<hbm>>
      tpu.enqueue_dma source(%arg10 : memref<8x2048xf32, #tpu.memory_space<vmem>>) target(%dma_start3A_480 : memref<8x2048xf32, #tpu.memory_space<hbm>>) target_semaphore(%arg24 : memref<!tpu.dma_semaphore, #tpu.memory_space<semaphore_mem>>)
      %sub3A_481 = arith.constant 2 : i32
      %sub3A_482 = arith.subi %add3A_467, %sub3A_481 : i32
      %mul3A_483 = arith.constant 8 : i32
      %mul3A_484 = arith.muli %sub3A_482, %mul3A_483 : i32
      %add3A_485 = arith.addi %mul3A_2, %mul3A_484 : i32
      %dma_wait3A_486 = arith.constant 0 : i32
      %dma_wait3A_487 = tpu.memref_slice %arg4[%add3A_485, %dma_wait3A_486] : memref<16384x2048xf32, #tpu.memory_space<hbm>> -> memref<8x2048xf32, #tpu.memory_space<hbm>>
      %dma_wait3A_488 = arith.constant 0 : i32
      %dma_wait3A_489 = tpu.memref_slice %arg4[%add3A_485, %dma_wait3A_488] : memref<16384x2048xf32, #tpu.memory_space<hbm>> -> memref<8x2048xf32, #tpu.memory_space<hbm>>
      tpu.wait_dma2 semaphore(%arg22 : memref<!tpu.dma_semaphore, #tpu.memory_space<semaphore_mem>>) src(%arg8 : memref<8x2048xf32, #tpu.memory_space<vmem>>) dst(%dma_wait3A_489 : memref<8x2048xf32, #tpu.memory_space<hbm>>)
      %add3A_490 = arith.constant 5 : i32
      %add3A_491 = arith.addi %add3A_467, %add3A_490 : i32
      %mul3A_492 = arith.constant 8 : i32
      %mul3A_493 = arith.muli %add3A_491, %mul3A_492 : i32
      %dma_start3A_494 = tpu.memref_slice %arg5[%mul3A_493] : memref<512xi32, #tpu.memory_space<vmem>> -> memref<8xi32, #tpu.memory_space<vmem>>
      %dma_start3A_495 = arith.constant 0 : i32
      %dma_start3A_496 = arith.constant 0 : i32
      %dma_start3A_497 = tpu.memref_slice %arg2[%dma_start3A_495, %dma_start3A_496] : memref<32000x2048xf32, #tpu.memory_space<hbm>> -> memref<32000x2048xf32, #tpu.memory_space<hbm>>
      tpu.enqueue_indirect_dma source(%dma_start3A_497 : memref<32000x2048xf32, #tpu.memory_space<hbm>>) target(%arg8 : memref<8x2048xf32, #tpu.memory_space<vmem>>) offsets(%dma_start3A_494 : memref<8xi32, #tpu.memory_space<vmem>>) semaphore(%arg15 : memref<!tpu.dma_semaphore, #tpu.memory_space<semaphore_mem>>)
      %add3A_498 = arith.constant 5 : i32
      %add3A_499 = arith.addi %mul3A_338, %add3A_498 : i32
      %mul3A_500 = arith.constant 8 : i32
      %mul3A_501 = arith.muli %add3A_499, %mul3A_500 : i32
      %dma_wait3A_502 = tpu.memref_slice %arg5[%mul3A_501] : memref<512xi32, #tpu.memory_space<vmem>> -> memref<8xi32, #tpu.memory_space<vmem>>
      %dma_wait3A_503 = arith.constant 0 : i32
      %dma_wait3A_504 = arith.constant 0 : i32
      %dma_wait3A_505 = tpu.memref_slice %arg2[%dma_wait3A_503, %dma_wait3A_504] : memref<32000x2048xf32, #tpu.memory_space<hbm>> -> memref<32000x2048xf32, #tpu.memory_space<hbm>>
      tpu.wait_indirect_dma semaphore(%arg18 : memref<!tpu.dma_semaphore, #tpu.memory_space<semaphore_mem>>) src(%dma_wait3A_505 : memref<32000x2048xf32, #tpu.memory_space<hbm>>) dst(%arg11 : memref<8x2048xf32, #tpu.memory_space<vmem>>)
      %mul3A_506 = arith.constant 8 : i32
      %mul3A_507 = arith.muli %add3A_499, %mul3A_506 : i32
      %add3A_508 = arith.addi %mul3A_2, %mul3A_507 : i32
      %dma_start3A_509 = arith.constant 0 : i32
      %dma_start3A_510 = tpu.memref_slice %arg4[%add3A_508, %dma_start3A_509] : memref<16384x2048xf32, #tpu.memory_space<hbm>> -> memref<8x2048xf32, #tpu.memory_space<hbm>>
      %dma_start3A_511 = arith.constant 0 : i32
      %dma_start3A_512 = tpu.memref_slice %arg4[%add3A_508, %dma_start3A_511] : memref<16384x2048xf32, #tpu.memory_space<hbm>> -> memref<8x2048xf32, #tpu.memory_space<hbm>>
      tpu.enqueue_dma source(%arg11 : memref<8x2048xf32, #tpu.memory_space<vmem>>) target(%dma_start3A_512 : memref<8x2048xf32, #tpu.memory_space<hbm>>) target_semaphore(%arg25 : memref<!tpu.dma_semaphore, #tpu.memory_space<semaphore_mem>>)
      %sub3A_513 = arith.constant 2 : i32
      %sub3A_514 = arith.subi %add3A_499, %sub3A_513 : i32
      %mul3A_515 = arith.constant 8 : i32
      %mul3A_516 = arith.muli %sub3A_514, %mul3A_515 : i32
      %add3A_517 = arith.addi %mul3A_2, %mul3A_516 : i32
      %dma_wait3A_518 = arith.constant 0 : i32
      %dma_wait3A_519 = tpu.memref_slice %arg4[%add3A_517, %dma_wait3A_518] : memref<16384x2048xf32, #tpu.memory_space<hbm>> -> memref<8x2048xf32, #tpu.memory_space<hbm>>
      %dma_wait3A_520 = arith.constant 0 : i32
      %dma_wait3A_521 = tpu.memref_slice %arg4[%add3A_517, %dma_wait3A_520] : memref<16384x2048xf32, #tpu.memory_space<hbm>> -> memref<8x2048xf32, #tpu.memory_space<hbm>>
      tpu.wait_dma2 semaphore(%arg23 : memref<!tpu.dma_semaphore, #tpu.memory_space<semaphore_mem>>) src(%arg9 : memref<8x2048xf32, #tpu.memory_space<vmem>>) dst(%dma_wait3A_521 : memref<8x2048xf32, #tpu.memory_space<hbm>>)
      %add3A_522 = arith.constant 5 : i32
      %add3A_523 = arith.addi %add3A_499, %add3A_522 : i32
      %mul3A_524 = arith.constant 8 : i32
      %mul3A_525 = arith.muli %add3A_523, %mul3A_524 : i32
      %dma_start3A_526 = tpu.memref_slice %arg5[%mul3A_525] : memref<512xi32, #tpu.memory_space<vmem>> -> memref<8xi32, #tpu.memory_space<vmem>>
      %dma_start3A_527 = arith.constant 0 : i32
      %dma_start3A_528 = arith.constant 0 : i32
      %dma_start3A_529 = tpu.memref_slice %arg2[%dma_start3A_527, %dma_start3A_528] : memref<32000x2048xf32, #tpu.memory_space<hbm>> -> memref<32000x2048xf32, #tpu.memory_space<hbm>>
      tpu.enqueue_indirect_dma source(%dma_start3A_529 : memref<32000x2048xf32, #tpu.memory_space<hbm>>) target(%arg9 : memref<8x2048xf32, #tpu.memory_space<vmem>>) offsets(%dma_start3A_526 : memref<8xi32, #tpu.memory_space<vmem>>) semaphore(%arg16 : memref<!tpu.dma_semaphore, #tpu.memory_space<semaphore_mem>>)
      %add3A_530 = arith.constant 6 : i32
      %add3A_531 = arith.addi %mul3A_338, %add3A_530 : i32
      %mul3A_532 = arith.constant 8 : i32
      %mul3A_533 = arith.muli %add3A_531, %mul3A_532 : i32
      %dma_wait3A_534 = tpu.memref_slice %arg5[%mul3A_533] : memref<512xi32, #tpu.memory_space<vmem>> -> memref<8xi32, #tpu.memory_space<vmem>>
      %dma_wait3A_535 = arith.constant 0 : i32
      %dma_wait3A_536 = arith.constant 0 : i32
      %dma_wait3A_537 = tpu.memref_slice %arg2[%dma_wait3A_535, %dma_wait3A_536] : memref<32000x2048xf32, #tpu.memory_space<hbm>> -> memref<32000x2048xf32, #tpu.memory_space<hbm>>
      tpu.wait_indirect_dma semaphore(%arg19 : memref<!tpu.dma_semaphore, #tpu.memory_space<semaphore_mem>>) src(%dma_wait3A_537 : memref<32000x2048xf32, #tpu.memory_space<hbm>>) dst(%arg12 : memref<8x2048xf32, #tpu.memory_space<vmem>>)
      %mul3A_538 = arith.constant 8 : i32
      %mul3A_539 = arith.muli %add3A_531, %mul3A_538 : i32
      %add3A_540 = arith.addi %mul3A_2, %mul3A_539 : i32
      %dma_start3A_541 = arith.constant 0 : i32
      %dma_start3A_542 = tpu.memref_slice %arg4[%add3A_540, %dma_start3A_541] : memref<16384x2048xf32, #tpu.memory_space<hbm>> -> memref<8x2048xf32, #tpu.memory_space<hbm>>
      %dma_start3A_543 = arith.constant 0 : i32
      %dma_start3A_544 = tpu.memref_slice %arg4[%add3A_540, %dma_start3A_543] : memref<16384x2048xf32, #tpu.memory_space<hbm>> -> memref<8x2048xf32, #tpu.memory_space<hbm>>
      tpu.enqueue_dma source(%arg12 : memref<8x2048xf32, #tpu.memory_space<vmem>>) target(%dma_start3A_544 : memref<8x2048xf32, #tpu.memory_space<hbm>>) target_semaphore(%arg26 : memref<!tpu.dma_semaphore, #tpu.memory_space<semaphore_mem>>)
      %sub3A_545 = arith.constant 2 : i32
      %sub3A_546 = arith.subi %add3A_531, %sub3A_545 : i32
      %mul3A_547 = arith.constant 8 : i32
      %mul3A_548 = arith.muli %sub3A_546, %mul3A_547 : i32
      %add3A_549 = arith.addi %mul3A_2, %mul3A_548 : i32
      %dma_wait3A_550 = arith.constant 0 : i32
      %dma_wait3A_551 = tpu.memref_slice %arg4[%add3A_549, %dma_wait3A_550] : memref<16384x2048xf32, #tpu.memory_space<hbm>> -> memref<8x2048xf32, #tpu.memory_space<hbm>>
      %dma_wait3A_552 = arith.constant 0 : i32
      %dma_wait3A_553 = tpu.memref_slice %arg4[%add3A_549, %dma_wait3A_552] : memref<16384x2048xf32, #tpu.memory_space<hbm>> -> memref<8x2048xf32, #tpu.memory_space<hbm>>
      tpu.wait_dma2 semaphore(%arg24 : memref<!tpu.dma_semaphore, #tpu.memory_space<semaphore_mem>>) src(%arg10 : memref<8x2048xf32, #tpu.memory_space<vmem>>) dst(%dma_wait3A_553 : memref<8x2048xf32, #tpu.memory_space<hbm>>)
      %add3A_554 = arith.constant 5 : i32
      %add3A_555 = arith.addi %add3A_531, %add3A_554 : i32
      %mul3A_556 = arith.constant 8 : i32
      %mul3A_557 = arith.muli %add3A_555, %mul3A_556 : i32
      %dma_start3A_558 = tpu.memref_slice %arg5[%mul3A_557] : memref<512xi32, #tpu.memory_space<vmem>> -> memref<8xi32, #tpu.memory_space<vmem>>
      %dma_start3A_559 = arith.constant 0 : i32
      %dma_start3A_560 = arith.constant 0 : i32
      %dma_start3A_561 = tpu.memref_slice %arg2[%dma_start3A_559, %dma_start3A_560] : memref<32000x2048xf32, #tpu.memory_space<hbm>> -> memref<32000x2048xf32, #tpu.memory_space<hbm>>
      tpu.enqueue_indirect_dma source(%dma_start3A_561 : memref<32000x2048xf32, #tpu.memory_space<hbm>>) target(%arg10 : memref<8x2048xf32, #tpu.memory_space<vmem>>) offsets(%dma_start3A_558 : memref<8xi32, #tpu.memory_space<vmem>>) semaphore(%arg17 : memref<!tpu.dma_semaphore, #tpu.memory_space<semaphore_mem>>)
    }
    %scan3A_172 = arith.constant 7 : i32
    %dma_wait3A_173 = arith.constant 448 : i32
    %dma_wait3A_174 = tpu.memref_slice %arg5[%dma_wait3A_173] : memref<512xi32, #tpu.memory_space<vmem>> -> memref<8xi32, #tpu.memory_space<vmem>>
    %dma_wait3A_175 = arith.constant 0 : i32
    %dma_wait3A_176 = arith.constant 0 : i32
    %dma_wait3A_177 = tpu.memref_slice %arg2[%dma_wait3A_175, %dma_wait3A_176] : memref<32000x2048xf32, #tpu.memory_space<hbm>> -> memref<32000x2048xf32, #tpu.memory_space<hbm>>
    tpu.wait_indirect_dma semaphore(%arg13 : memref<!tpu.dma_semaphore, #tpu.memory_space<semaphore_mem>>) src(%dma_wait3A_177 : memref<32000x2048xf32, #tpu.memory_space<hbm>>) dst(%arg6 : memref<8x2048xf32, #tpu.memory_space<vmem>>)
    %add3A_178 = arith.constant 448 : i32
    %add3A_179 = arith.addi %mul3A_2, %add3A_178 : i32
    %dma_start3A_180 = arith.constant 0 : i32
    %dma_start3A_181 = tpu.memref_slice %arg4[%add3A_179, %dma_start3A_180] : memref<16384x2048xf32, #tpu.memory_space<hbm>> -> memref<8x2048xf32, #tpu.memory_space<hbm>>
    %dma_start3A_182 = arith.constant 0 : i32
    %dma_start3A_183 = tpu.memref_slice %arg4[%add3A_179, %dma_start3A_182] : memref<16384x2048xf32, #tpu.memory_space<hbm>> -> memref<8x2048xf32, #tpu.memory_space<hbm>>
    tpu.enqueue_dma source(%arg6 : memref<8x2048xf32, #tpu.memory_space<vmem>>) target(%dma_start3A_183 : memref<8x2048xf32, #tpu.memory_space<hbm>>) target_semaphore(%arg20 : memref<!tpu.dma_semaphore, #tpu.memory_space<semaphore_mem>>)
    %add3A_184 = arith.constant 432 : i32
    %add3A_185 = arith.addi %mul3A_2, %add3A_184 : i32
    %dma_wait3A_186 = arith.constant 0 : i32
    %dma_wait3A_187 = tpu.memref_slice %arg4[%add3A_185, %dma_wait3A_186] : memref<16384x2048xf32, #tpu.memory_space<hbm>> -> memref<8x2048xf32, #tpu.memory_space<hbm>>
    %dma_wait3A_188 = arith.constant 0 : i32
    %dma_wait3A_189 = tpu.memref_slice %arg4[%add3A_185, %dma_wait3A_188] : memref<16384x2048xf32, #tpu.memory_space<hbm>> -> memref<8x2048xf32, #tpu.memory_space<hbm>>
    tpu.wait_dma2 semaphore(%arg25 : memref<!tpu.dma_semaphore, #tpu.memory_space<semaphore_mem>>) src(%arg11 : memref<8x2048xf32, #tpu.memory_space<vmem>>) dst(%dma_wait3A_189 : memref<8x2048xf32, #tpu.memory_space<hbm>>)
    %dma_start3A_190 = arith.constant 488 : i32
    %dma_start3A_191 = tpu.memref_slice %arg5[%dma_start3A_190] : memref<512xi32, #tpu.memory_space<vmem>> -> memref<8xi32, #tpu.memory_space<vmem>>
    %dma_start3A_192 = arith.constant 0 : i32
    %dma_start3A_193 = arith.constant 0 : i32
    %dma_start3A_194 = tpu.memref_slice %arg2[%dma_start3A_192, %dma_start3A_193] : memref<32000x2048xf32, #tpu.memory_space<hbm>> -> memref<32000x2048xf32, #tpu.memory_space<hbm>>
    tpu.enqueue_indirect_dma source(%dma_start3A_194 : memref<32000x2048xf32, #tpu.memory_space<hbm>>) target(%arg11 : memref<8x2048xf32, #tpu.memory_space<vmem>>) offsets(%dma_start3A_191 : memref<8xi32, #tpu.memory_space<vmem>>) semaphore(%arg18 : memref<!tpu.dma_semaphore, #tpu.memory_space<semaphore_mem>>)
    %dma_wait3A_195 = arith.constant 456 : i32
    %dma_wait3A_196 = tpu.memref_slice %arg5[%dma_wait3A_195] : memref<512xi32, #tpu.memory_space<vmem>> -> memref<8xi32, #tpu.memory_space<vmem>>
    %dma_wait3A_197 = arith.constant 0 : i32
    %dma_wait3A_198 = arith.constant 0 : i32
    %dma_wait3A_199 = tpu.memref_slice %arg2[%dma_wait3A_197, %dma_wait3A_198] : memref<32000x2048xf32, #tpu.memory_space<hbm>> -> memref<32000x2048xf32, #tpu.memory_space<hbm>>
    tpu.wait_indirect_dma semaphore(%arg14 : memref<!tpu.dma_semaphore, #tpu.memory_space<semaphore_mem>>) src(%dma_wait3A_199 : memref<32000x2048xf32, #tpu.memory_space<hbm>>) dst(%arg7 : memref<8x2048xf32, #tpu.memory_space<vmem>>)
    %add3A_200 = arith.constant 456 : i32
    %add3A_201 = arith.addi %mul3A_2, %add3A_200 : i32
    %dma_start3A_202 = arith.constant 0 : i32
    %dma_start3A_203 = tpu.memref_slice %arg4[%add3A_201, %dma_start3A_202] : memref<16384x2048xf32, #tpu.memory_space<hbm>> -> memref<8x2048xf32, #tpu.memory_space<hbm>>
    %dma_start3A_204 = arith.constant 0 : i32
    %dma_start3A_205 = tpu.memref_slice %arg4[%add3A_201, %dma_start3A_204] : memref<16384x2048xf32, #tpu.memory_space<hbm>> -> memref<8x2048xf32, #tpu.memory_space<hbm>>
    tpu.enqueue_dma source(%arg7 : memref<8x2048xf32, #tpu.memory_space<vmem>>) target(%dma_start3A_205 : memref<8x2048xf32, #tpu.memory_space<hbm>>) target_semaphore(%arg21 : memref<!tpu.dma_semaphore, #tpu.memory_space<semaphore_mem>>)
    %add3A_206 = arith.constant 440 : i32
    %add3A_207 = arith.addi %mul3A_2, %add3A_206 : i32
    %dma_wait3A_208 = arith.constant 0 : i32
    %dma_wait3A_209 = tpu.memref_slice %arg4[%add3A_207, %dma_wait3A_208] : memref<16384x2048xf32, #tpu.memory_space<hbm>> -> memref<8x2048xf32, #tpu.memory_space<hbm>>
    %dma_wait3A_210 = arith.constant 0 : i32
    %dma_wait3A_211 = tpu.memref_slice %arg4[%add3A_207, %dma_wait3A_210] : memref<16384x2048xf32, #tpu.memory_space<hbm>> -> memref<8x2048xf32, #tpu.memory_space<hbm>>
    tpu.wait_dma2 semaphore(%arg26 : memref<!tpu.dma_semaphore, #tpu.memory_space<semaphore_mem>>) src(%arg12 : memref<8x2048xf32, #tpu.memory_space<vmem>>) dst(%dma_wait3A_211 : memref<8x2048xf32, #tpu.memory_space<hbm>>)
    %dma_start3A_212 = arith.constant 496 : i32
    %dma_start3A_213 = tpu.memref_slice %arg5[%dma_start3A_212] : memref<512xi32, #tpu.memory_space<vmem>> -> memref<8xi32, #tpu.memory_space<vmem>>
    %dma_start3A_214 = arith.constant 0 : i32
    %dma_start3A_215 = arith.constant 0 : i32
    %dma_start3A_216 = tpu.memref_slice %arg2[%dma_start3A_214, %dma_start3A_215] : memref<32000x2048xf32, #tpu.memory_space<hbm>> -> memref<32000x2048xf32, #tpu.memory_space<hbm>>
    tpu.enqueue_indirect_dma source(%dma_start3A_216 : memref<32000x2048xf32, #tpu.memory_space<hbm>>) target(%arg12 : memref<8x2048xf32, #tpu.memory_space<vmem>>) offsets(%dma_start3A_213 : memref<8xi32, #tpu.memory_space<vmem>>) semaphore(%arg19 : memref<!tpu.dma_semaphore, #tpu.memory_space<semaphore_mem>>)
    %dma_wait3A_217 = arith.constant 464 : i32
    %dma_wait3A_218 = tpu.memref_slice %arg5[%dma_wait3A_217] : memref<512xi32, #tpu.memory_space<vmem>> -> memref<8xi32, #tpu.memory_space<vmem>>
    %dma_wait3A_219 = arith.constant 0 : i32
    %dma_wait3A_220 = arith.constant 0 : i32
    %dma_wait3A_221 = tpu.memref_slice %arg2[%dma_wait3A_219, %dma_wait3A_220] : memref<32000x2048xf32, #tpu.memory_space<hbm>> -> memref<32000x2048xf32, #tpu.memory_space<hbm>>
    tpu.wait_indirect_dma semaphore(%arg15 : memref<!tpu.dma_semaphore, #tpu.memory_space<semaphore_mem>>) src(%dma_wait3A_221 : memref<32000x2048xf32, #tpu.memory_space<hbm>>) dst(%arg8 : memref<8x2048xf32, #tpu.memory_space<vmem>>)
    %add3A_222 = arith.constant 464 : i32
    %add3A_223 = arith.addi %mul3A_2, %add3A_222 : i32
    %dma_start3A_224 = arith.constant 0 : i32
    %dma_start3A_225 = tpu.memref_slice %arg4[%add3A_223, %dma_start3A_224] : memref<16384x2048xf32, #tpu.memory_space<hbm>> -> memref<8x2048xf32, #tpu.memory_space<hbm>>
    %dma_start3A_226 = arith.constant 0 : i32
    %dma_start3A_227 = tpu.memref_slice %arg4[%add3A_223, %dma_start3A_226] : memref<16384x2048xf32, #tpu.memory_space<hbm>> -> memref<8x2048xf32, #tpu.memory_space<hbm>>
    tpu.enqueue_dma source(%arg8 : memref<8x2048xf32, #tpu.memory_space<vmem>>) target(%dma_start3A_227 : memref<8x2048xf32, #tpu.memory_space<hbm>>) target_semaphore(%arg22 : memref<!tpu.dma_semaphore, #tpu.memory_space<semaphore_mem>>)
    %add3A_228 = arith.constant 448 : i32
    %add3A_229 = arith.addi %mul3A_2, %add3A_228 : i32
    %dma_wait3A_230 = arith.constant 0 : i32
    %dma_wait3A_231 = tpu.memref_slice %arg4[%add3A_229, %dma_wait3A_230] : memref<16384x2048xf32, #tpu.memory_space<hbm>> -> memref<8x2048xf32, #tpu.memory_space<hbm>>
    %dma_wait3A_232 = arith.constant 0 : i32
    %dma_wait3A_233 = tpu.memref_slice %arg4[%add3A_229, %dma_wait3A_232] : memref<16384x2048xf32, #tpu.memory_space<hbm>> -> memref<8x2048xf32, #tpu.memory_space<hbm>>
    tpu.wait_dma2 semaphore(%arg20 : memref<!tpu.dma_semaphore, #tpu.memory_space<semaphore_mem>>) src(%arg6 : memref<8x2048xf32, #tpu.memory_space<vmem>>) dst(%dma_wait3A_233 : memref<8x2048xf32, #tpu.memory_space<hbm>>)
    %dma_start3A_234 = arith.constant 504 : i32
    %dma_start3A_235 = tpu.memref_slice %arg5[%dma_start3A_234] : memref<512xi32, #tpu.memory_space<vmem>> -> memref<8xi32, #tpu.memory_space<vmem>>
    %dma_start3A_236 = arith.constant 0 : i32
    %dma_start3A_237 = arith.constant 0 : i32
    %dma_start3A_238 = tpu.memref_slice %arg2[%dma_start3A_236, %dma_start3A_237] : memref<32000x2048xf32, #tpu.memory_space<hbm>> -> memref<32000x2048xf32, #tpu.memory_space<hbm>>
    tpu.enqueue_indirect_dma source(%dma_start3A_238 : memref<32000x2048xf32, #tpu.memory_space<hbm>>) target(%arg6 : memref<8x2048xf32, #tpu.memory_space<vmem>>) offsets(%dma_start3A_235 : memref<8xi32, #tpu.memory_space<vmem>>) semaphore(%arg13 : memref<!tpu.dma_semaphore, #tpu.memory_space<semaphore_mem>>)
    %dma_wait3A_239 = arith.constant 472 : i32
    %dma_wait3A_240 = tpu.memref_slice %arg5[%dma_wait3A_239] : memref<512xi32, #tpu.memory_space<vmem>> -> memref<8xi32, #tpu.memory_space<vmem>>
    %dma_wait3A_241 = arith.constant 0 : i32
    %dma_wait3A_242 = arith.constant 0 : i32
    %dma_wait3A_243 = tpu.memref_slice %arg2[%dma_wait3A_241, %dma_wait3A_242] : memref<32000x2048xf32, #tpu.memory_space<hbm>> -> memref<32000x2048xf32, #tpu.memory_space<hbm>>
    tpu.wait_indirect_dma semaphore(%arg16 : memref<!tpu.dma_semaphore, #tpu.memory_space<semaphore_mem>>) src(%dma_wait3A_243 : memref<32000x2048xf32, #tpu.memory_space<hbm>>) dst(%arg9 : memref<8x2048xf32, #tpu.memory_space<vmem>>)
    %add3A_244 = arith.constant 472 : i32
    %add3A_245 = arith.addi %mul3A_2, %add3A_244 : i32
    %dma_start3A_246 = arith.constant 0 : i32
    %dma_start3A_247 = tpu.memref_slice %arg4[%add3A_245, %dma_start3A_246] : memref<16384x2048xf32, #tpu.memory_space<hbm>> -> memref<8x2048xf32, #tpu.memory_space<hbm>>
    %dma_start3A_248 = arith.constant 0 : i32
    %dma_start3A_249 = tpu.memref_slice %arg4[%add3A_245, %dma_start3A_248] : memref<16384x2048xf32, #tpu.memory_space<hbm>> -> memref<8x2048xf32, #tpu.memory_space<hbm>>
    tpu.enqueue_dma source(%arg9 : memref<8x2048xf32, #tpu.memory_space<vmem>>) target(%dma_start3A_249 : memref<8x2048xf32, #tpu.memory_space<hbm>>) target_semaphore(%arg23 : memref<!tpu.dma_semaphore, #tpu.memory_space<semaphore_mem>>)
    %dma_wait3A_250 = arith.constant 480 : i32
    %dma_wait3A_251 = tpu.memref_slice %arg5[%dma_wait3A_250] : memref<512xi32, #tpu.memory_space<vmem>> -> memref<8xi32, #tpu.memory_space<vmem>>
    %dma_wait3A_252 = arith.constant 0 : i32
    %dma_wait3A_253 = arith.constant 0 : i32
    %dma_wait3A_254 = tpu.memref_slice %arg2[%dma_wait3A_252, %dma_wait3A_253] : memref<32000x2048xf32, #tpu.memory_space<hbm>> -> memref<32000x2048xf32, #tpu.memory_space<hbm>>
    tpu.wait_indirect_dma semaphore(%arg17 : memref<!tpu.dma_semaphore, #tpu.memory_space<semaphore_mem>>) src(%dma_wait3A_254 : memref<32000x2048xf32, #tpu.memory_space<hbm>>) dst(%arg10 : memref<8x2048xf32, #tpu.memory_space<vmem>>)
    %add3A_255 = arith.constant 480 : i32
    %add3A_256 = arith.addi %mul3A_2, %add3A_255 : i32
    %dma_start3A_257 = arith.constant 0 : i32
    %dma_start3A_258 = tpu.memref_slice %arg4[%add3A_256, %dma_start3A_257] : memref<16384x2048xf32, #tpu.memory_space<hbm>> -> memref<8x2048xf32, #tpu.memory_space<hbm>>
    %dma_start3A_259 = arith.constant 0 : i32
    %dma_start3A_260 = tpu.memref_slice %arg4[%add3A_256, %dma_start3A_259] : memref<16384x2048xf32, #tpu.memory_space<hbm>> -> memref<8x2048xf32, #tpu.memory_space<hbm>>
    tpu.enqueue_dma source(%arg10 : memref<8x2048xf32, #tpu.memory_space<vmem>>) target(%dma_start3A_260 : memref<8x2048xf32, #tpu.memory_space<hbm>>) target_semaphore(%arg24 : memref<!tpu.dma_semaphore, #tpu.memory_space<semaphore_mem>>)
    %dma_wait3A_261 = arith.constant 488 : i32
    %dma_wait3A_262 = tpu.memref_slice %arg5[%dma_wait3A_261] : memref<512xi32, #tpu.memory_space<vmem>> -> memref<8xi32, #tpu.memory_space<vmem>>
    %dma_wait3A_263 = arith.constant 0 : i32
    %dma_wait3A_264 = arith.constant 0 : i32
    %dma_wait3A_265 = tpu.memref_slice %arg2[%dma_wait3A_263, %dma_wait3A_264] : memref<32000x2048xf32, #tpu.memory_space<hbm>> -> memref<32000x2048xf32, #tpu.memory_space<hbm>>
    tpu.wait_indirect_dma semaphore(%arg18 : memref<!tpu.dma_semaphore, #tpu.memory_space<semaphore_mem>>) src(%dma_wait3A_265 : memref<32000x2048xf32, #tpu.memory_space<hbm>>) dst(%arg11 : memref<8x2048xf32, #tpu.memory_space<vmem>>)
    %add3A_266 = arith.constant 488 : i32
    %add3A_267 = arith.addi %mul3A_2, %add3A_266 : i32
    %dma_start3A_268 = arith.constant 0 : i32
    %dma_start3A_269 = tpu.memref_slice %arg4[%add3A_267, %dma_start3A_268] : memref<16384x2048xf32, #tpu.memory_space<hbm>> -> memref<8x2048xf32, #tpu.memory_space<hbm>>
    %dma_start3A_270 = arith.constant 0 : i32
    %dma_start3A_271 = tpu.memref_slice %arg4[%add3A_267, %dma_start3A_270] : memref<16384x2048xf32, #tpu.memory_space<hbm>> -> memref<8x2048xf32, #tpu.memory_space<hbm>>
    tpu.enqueue_dma source(%arg11 : memref<8x2048xf32, #tpu.memory_space<vmem>>) target(%dma_start3A_271 : memref<8x2048xf32, #tpu.memory_space<hbm>>) target_semaphore(%arg25 : memref<!tpu.dma_semaphore, #tpu.memory_space<semaphore_mem>>)
    %dma_wait3A_272 = arith.constant 496 : i32
    %dma_wait3A_273 = tpu.memref_slice %arg5[%dma_wait3A_272] : memref<512xi32, #tpu.memory_space<vmem>> -> memref<8xi32, #tpu.memory_space<vmem>>
    %dma_wait3A_274 = arith.constant 0 : i32
    %dma_wait3A_275 = arith.constant 0 : i32
    %dma_wait3A_276 = tpu.memref_slice %arg2[%dma_wait3A_274, %dma_wait3A_275] : memref<32000x2048xf32, #tpu.memory_space<hbm>> -> memref<32000x2048xf32, #tpu.memory_space<hbm>>
    tpu.wait_indirect_dma semaphore(%arg19 : memref<!tpu.dma_semaphore, #tpu.memory_space<semaphore_mem>>) src(%dma_wait3A_276 : memref<32000x2048xf32, #tpu.memory_space<hbm>>) dst(%arg12 : memref<8x2048xf32, #tpu.memory_space<vmem>>)
    %add3A_277 = arith.constant 496 : i32
    %add3A_278 = arith.addi %mul3A_2, %add3A_277 : i32
    %dma_start3A_279 = arith.constant 0 : i32
    %dma_start3A_280 = tpu.memref_slice %arg4[%add3A_278, %dma_start3A_279] : memref<16384x2048xf32, #tpu.memory_space<hbm>> -> memref<8x2048xf32, #tpu.memory_space<hbm>>
    %dma_start3A_281 = arith.constant 0 : i32
    %dma_start3A_282 = tpu.memref_slice %arg4[%add3A_278, %dma_start3A_281] : memref<16384x2048xf32, #tpu.memory_space<hbm>> -> memref<8x2048xf32, #tpu.memory_space<hbm>>
    tpu.enqueue_dma source(%arg12 : memref<8x2048xf32, #tpu.memory_space<vmem>>) target(%dma_start3A_282 : memref<8x2048xf32, #tpu.memory_space<hbm>>) target_semaphore(%arg26 : memref<!tpu.dma_semaphore, #tpu.memory_space<semaphore_mem>>)
    %dma_wait3A_283 = arith.constant 504 : i32
    %dma_wait3A_284 = tpu.memref_slice %arg5[%dma_wait3A_283] : memref<512xi32, #tpu.memory_space<vmem>> -> memref<8xi32, #tpu.memory_space<vmem>>
    %dma_wait3A_285 = arith.constant 0 : i32
    %dma_wait3A_286 = arith.constant 0 : i32
    %dma_wait3A_287 = tpu.memref_slice %arg2[%dma_wait3A_285, %dma_wait3A_286] : memref<32000x2048xf32, #tpu.memory_space<hbm>> -> memref<32000x2048xf32, #tpu.memory_space<hbm>>
    tpu.wait_indirect_dma semaphore(%arg13 : memref<!tpu.dma_semaphore, #tpu.memory_space<semaphore_mem>>) src(%dma_wait3A_287 : memref<32000x2048xf32, #tpu.memory_space<hbm>>) dst(%arg6 : memref<8x2048xf32, #tpu.memory_space<vmem>>)
    %add3A_288 = arith.constant 504 : i32
    %add3A_289 = arith.addi %mul3A_2, %add3A_288 : i32
    %dma_start3A_290 = arith.constant 0 : i32
    %dma_start3A_291 = tpu.memref_slice %arg4[%add3A_289, %dma_start3A_290] : memref<16384x2048xf32, #tpu.memory_space<hbm>> -> memref<8x2048xf32, #tpu.memory_space<hbm>>
    %dma_start3A_292 = arith.constant 0 : i32
    %dma_start3A_293 = tpu.memref_slice %arg4[%add3A_289, %dma_start3A_292] : memref<16384x2048xf32, #tpu.memory_space<hbm>> -> memref<8x2048xf32, #tpu.memory_space<hbm>>
    tpu.enqueue_dma source(%arg6 : memref<8x2048xf32, #tpu.memory_space<vmem>>) target(%dma_start3A_293 : memref<8x2048xf32, #tpu.memory_space<hbm>>) target_semaphore(%arg20 : memref<!tpu.dma_semaphore, #tpu.memory_space<semaphore_mem>>)
    %add3A_294 = arith.constant 456 : i32
    %add3A_295 = arith.addi %mul3A_2, %add3A_294 : i32
    %dma_wait3A_296 = arith.constant 0 : i32
    %dma_wait3A_297 = tpu.memref_slice %arg4[%add3A_295, %dma_wait3A_296] : memref<16384x2048xf32, #tpu.memory_space<hbm>> -> memref<8x2048xf32, #tpu.memory_space<hbm>>
    %dma_wait3A_298 = arith.constant 0 : i32
    %dma_wait3A_299 = tpu.memref_slice %arg4[%add3A_295, %dma_wait3A_298] : memref<16384x2048xf32, #tpu.memory_space<hbm>> -> memref<8x2048xf32, #tpu.memory_space<hbm>>
    tpu.wait_dma2 semaphore(%arg21 : memref<!tpu.dma_semaphore, #tpu.memory_space<semaphore_mem>>) src(%arg7 : memref<8x2048xf32, #tpu.memory_space<vmem>>) dst(%dma_wait3A_299 : memref<8x2048xf32, #tpu.memory_space<hbm>>)
    %add3A_300 = arith.constant 464 : i32
    %add3A_301 = arith.addi %mul3A_2, %add3A_300 : i32
    %dma_wait3A_302 = arith.constant 0 : i32
    %dma_wait3A_303 = tpu.memref_slice %arg4[%add3A_301, %dma_wait3A_302] : memref<16384x2048xf32, #tpu.memory_space<hbm>> -> memref<8x2048xf32, #tpu.memory_space<hbm>>
    %dma_wait3A_304 = arith.constant 0 : i32
    %dma_wait3A_305 = tpu.memref_slice %arg4[%add3A_301, %dma_wait3A_304] : memref<16384x2048xf32, #tpu.memory_space<hbm>> -> memref<8x2048xf32, #tpu.memory_space<hbm>>
    tpu.wait_dma2 semaphore(%arg22 : memref<!tpu.dma_semaphore, #tpu.memory_space<semaphore_mem>>) src(%arg8 : memref<8x2048xf32, #tpu.memory_space<vmem>>) dst(%dma_wait3A_305 : memref<8x2048xf32, #tpu.memory_space<hbm>>)
    %add3A_306 = arith.constant 472 : i32
    %add3A_307 = arith.addi %mul3A_2, %add3A_306 : i32
    %dma_wait3A_308 = arith.constant 0 : i32
    %dma_wait3A_309 = tpu.memref_slice %arg4[%add3A_307, %dma_wait3A_308] : memref<16384x2048xf32, #tpu.memory_space<hbm>> -> memref<8x2048xf32, #tpu.memory_space<hbm>>
    %dma_wait3A_310 = arith.constant 0 : i32
    %dma_wait3A_311 = tpu.memref_slice %arg4[%add3A_307, %dma_wait3A_310] : memref<16384x2048xf32, #tpu.memory_space<hbm>> -> memref<8x2048xf32, #tpu.memory_space<hbm>>
    tpu.wait_dma2 semaphore(%arg23 : memref<!tpu.dma_semaphore, #tpu.memory_space<semaphore_mem>>) src(%arg9 : memref<8x2048xf32, #tpu.memory_space<vmem>>) dst(%dma_wait3A_311 : memref<8x2048xf32, #tpu.memory_space<hbm>>)
    %add3A_312 = arith.constant 480 : i32
    %add3A_313 = arith.addi %mul3A_2, %add3A_312 : i32
    %dma_wait3A_314 = arith.constant 0 : i32
    %dma_wait3A_315 = tpu.memref_slice %arg4[%add3A_313, %dma_wait3A_314] : memref<16384x2048xf32, #tpu.memory_space<hbm>> -> memref<8x2048xf32, #tpu.memory_space<hbm>>
    %dma_wait3A_316 = arith.constant 0 : i32
    %dma_wait3A_317 = tpu.memref_slice %arg4[%add3A_313, %dma_wait3A_316] : memref<16384x2048xf32, #tpu.memory_space<hbm>> -> memref<8x2048xf32, #tpu.memory_space<hbm>>
    tpu.wait_dma2 semaphore(%arg24 : memref<!tpu.dma_semaphore, #tpu.memory_space<semaphore_mem>>) src(%arg10 : memref<8x2048xf32, #tpu.memory_space<vmem>>) dst(%dma_wait3A_317 : memref<8x2048xf32, #tpu.memory_space<hbm>>)
    %add3A_318 = arith.constant 488 : i32
    %add3A_319 = arith.addi %mul3A_2, %add3A_318 : i32
    %dma_wait3A_320 = arith.constant 0 : i32
    %dma_wait3A_321 = tpu.memref_slice %arg4[%add3A_319, %dma_wait3A_320] : memref<16384x2048xf32, #tpu.memory_space<hbm>> -> memref<8x2048xf32, #tpu.memory_space<hbm>>
    %dma_wait3A_322 = arith.constant 0 : i32
    %dma_wait3A_323 = tpu.memref_slice %arg4[%add3A_319, %dma_wait3A_322] : memref<16384x2048xf32, #tpu.memory_space<hbm>> -> memref<8x2048xf32, #tpu.memory_space<hbm>>
    tpu.wait_dma2 semaphore(%arg25 : memref<!tpu.dma_semaphore, #tpu.memory_space<semaphore_mem>>) src(%arg11 : memref<8x2048xf32, #tpu.memory_space<vmem>>) dst(%dma_wait3A_323 : memref<8x2048xf32, #tpu.memory_space<hbm>>)
    %add3A_324 = arith.constant 496 : i32
    %add3A_325 = arith.addi %mul3A_2, %add3A_324 : i32
    %dma_wait3A_326 = arith.constant 0 : i32
    %dma_wait3A_327 = tpu.memref_slice %arg4[%add3A_325, %dma_wait3A_326] : memref<16384x2048xf32, #tpu.memory_space<hbm>> -> memref<8x2048xf32, #tpu.memory_space<hbm>>
    %dma_wait3A_328 = arith.constant 0 : i32
    %dma_wait3A_329 = tpu.memref_slice %arg4[%add3A_325, %dma_wait3A_328] : memref<16384x2048xf32, #tpu.memory_space<hbm>> -> memref<8x2048xf32, #tpu.memory_space<hbm>>
    tpu.wait_dma2 semaphore(%arg26 : memref<!tpu.dma_semaphore, #tpu.memory_space<semaphore_mem>>) src(%arg12 : memref<8x2048xf32, #tpu.memory_space<vmem>>) dst(%dma_wait3A_329 : memref<8x2048xf32, #tpu.memory_space<hbm>>)
    %add3A_330 = arith.constant 504 : i32
    %add3A_331 = arith.addi %mul3A_2, %add3A_330 : i32
    %dma_wait3A_332 = arith.constant 0 : i32
    %dma_wait3A_333 = tpu.memref_slice %arg4[%add3A_331, %dma_wait3A_332] : memref<16384x2048xf32, #tpu.memory_space<hbm>> -> memref<8x2048xf32, #tpu.memory_space<hbm>>
    %dma_wait3A_334 = arith.constant 0 : i32
    %dma_wait3A_335 = tpu.memref_slice %arg4[%add3A_331, %dma_wait3A_334] : memref<16384x2048xf32, #tpu.memory_space<hbm>> -> memref<8x2048xf32, #tpu.memory_space<hbm>>
    tpu.wait_dma2 semaphore(%arg20 : memref<!tpu.dma_semaphore, #tpu.memory_space<semaphore_mem>>) src(%arg6 : memref<8x2048xf32, #tpu.memory_space<vmem>>) dst(%dma_wait3A_335 : memref<8x2048xf32, #tpu.memory_space<hbm>>)
    return
  }
}

</mosaic_0001>

<sc_bundles>
// kernel: kernel.3.cloned.1.call-start
scs
__scs_entry_jumppad:
0x0: {  	(pc) =	sbr.rel $0x88, $3  }
0x1: {  	(tag) =	ssettag $0x0;
	lr =	simm.s32 $0x1  }
0x2: {  	[smem:$0x3F9F] =	sst lr;
	_ =	strace $0xD0000000  }
0x3: {  	_ = 	snop  }
0x4: {  	_ = 	snop  }
0x5: {  	_ = 	snop  }
0x6: {  	_ = 	snop  }
0x7: {  	_ = 	snop  }
__scs_overlays_trampoline_lowered:
0x8: {  	[smem:$0x3FAE] =	sst s0  }
0x9: {  	[smem:$0x3FAF] =	sst s1  }
0xa: {  	[smem:$0x3FB0] =	sst s2  }
0xb: {  	[smem:$0x3FB1] =	sst s3  }
0xc: {  	[smem:$0x3FB2] =	sst s4  }
0xd: {  	[smem:$0x3FB3] =	sst s5  }
0xe: {  	[smem:$0x3FB4] =	sst s6  }
0xf: {  	[smem:$0x3FB5] =	sst s7  }
0x10: {  	[smem:$0x3FB6] =	sst s8  }
0x11: {  	[smem:$0x3FB7] =	sst s9;
	s0 =	simm.s32 @!p0 $0x0  }
0x12: {  	s1 =	sld [smem:$0x3F9D];
	s0 =	simm.s32 @p0 $0x1  }
0x13: {  	[smem:$0x3FB8] =	sst s0;
	s0 =	simm.s32 @!p1 $0x0  }
0x14: {  	s2 =	sld [smem:$0x3F9C];
	s0 =	simm.s32 @p1 $0x1  }
0x15: {  	[smem:$0x3FB9] =	sst s0;
	s0 =	simm.s32 @!p2 $0x0  }
0x16: {  	s3 =	sld [smem:$0x3FDB];
	s0 =	simm.s32 @p2 $0x1  }
0x17: {  	s4 =	simm.s32 $0x1BF5;
	[smem:$0x3FBB] =	sst s0  }
0x18: {  	s0 =	sld [smem:$0x3F9E];
	_ =	swait.ge [sflag:s4], $0x0  }
0x19: {  	s7 =	sld [smem:$0x3F9F]  }
0x1a: {  	s8 =	sadd.s32 $0xFFFFE003, lr  }
0x1b: {  	s9 =	sadd.s32 $0xFFFFFEF7, lr;
	s5 =	simm.s32 $0xFFFFFFFF;
	p2 =	slt.u32 s8, $0xFFFFF086  }
0x1c: {  	p1 =	slt.u32 s9, $0xF7A;
	s5 =	simm.s32 @!p2 $0x0  }
0x1d: {  	s5 =	simm.s32 @p1 $0x1;
	p0 =	seq.s32 s7, s2  }
0x1e: {  	s7 =	smul.u32 @!p0 $0xF7A, s2;
	p2 =	seq.s32 @!p0 s5, $0x0  }
0x1f: {  	s9 =	smul.u32 $0xF7A, s1;
	s8 =	simm.s32 @!p0 $0x1BF5;
	p2 =	por !p2, p0  }
0x20: {  	[sflag:s8] =	ssyncset.s32 @!p0 $0xFFFFF086;
	s6 =	sadd.s32 @!p0 s3, s7;
	s7 =	simm.s32 @!p0 $0x108  }
0x21: {  	s3 =	sadd.s32 s3, s9;
	s6 =	sadd.s32 @!p0 $0x88, s6;
	s7 =	simm.s32 @p2 $0x1082  }
0x22: {  	[simem:s7], [sflag:s8] =	dma.local @!p0 [hbm:s6], $0xF7A  }
0x23: {  	s9 =	sor.u32 $0xD0000000, s2;
	s6 =	simm.s32 $0x108;
	_ =	swait.ge @!p0 [sflag:s8], $0x0  }
0x24: {  	s3 =	sadd.s32 $0x88, s3;
	s6 =	simm.s32 @!p1 $0x1082;
	[sflag:s4] =	ssyncset.s32 $0xFFFFF086  }
0x25: {  	[simem:s6], [sflag:s4] =	dma.local [hbm:s3], $0xF7A  }
0x26: {  	[smem:$0x3F9F] =	sst s1;
	(tag) =	ssettag s2;
	_ =	strace s9  }
0x27: {  	s1 =	sld [smem:$0x3FAF]  }
0x28: {  	s2 =	sld [smem:$0x3FB0]  }
0x29: {  	s4 =	sld [smem:$0x3FB2]  }
0x2a: {  	p0 =	seq.s32 s5, $0x0;
	s5 =	sld [smem:$0x3FB3]  }
0x2b: {  	s6 =	sld [smem:$0x3FB4]  }
0x2c: {  	s7 =	sld [smem:$0x3FB5]  }
0x2d: {  	s3 =	simm.s32 $0x108;
	s8 =	sld [smem:$0x3FB6]  }
0x2e: {  	s3 =	simm.s32 @!p0 $0x1082;
	s9 =	sld [smem:$0x3FB7]  }
0x2f: {  	lr =	sadd.s32 s0, s3;
	s0 =	sld [smem:$0x3FAE]  }
0x30: {  	s3 =	sld [smem:$0x3FB1]  }
0x31: {  	[smem:$0x3FBA] =	sst s10  }
0x32: {  	s10 =	sld [smem:$0x3FB8];
	_ =	sdelay $0x3  }
0x33: {  	p0 =	seq.s32 s10, $0x1;
	s10 =	sld [smem:$0x3FBA];
	_ =	sdelay $0x3  }
0x34: {  	[smem:$0x3FBA] =	sst s10  }
0x35: {  	s10 =	sld [smem:$0x3FB9];
	_ =	sdelay $0x3  }
0x36: {  	p1 =	seq.s32 s10, $0x1;
	s10 =	sld [smem:$0x3FBA];
	_ =	sdelay $0x3  }
0x37: {  	[smem:$0x3FBA] =	sst s10  }
0x38: {  	s10 =	sld [smem:$0x3FBB]  }
0x39: {  	_ = 	snop;
	(pc) =	sbr.ind lr, $3  }
0x3a: {  	_ = 	snop  }
0x3b: {  	_ = 	snop  }
0x3c: {  	p2 =	seq.s32 s10, $0x1;
	s10 =	sld [smem:$0x3FBA]  }
0x3d: {  	_ =	shalt  }
0x3e: {  	_ =	shalt  }
0x3f: {  	_ =	shalt  }
0x40: {  	_ =	shalt  }
0x41: {  	_ =	shalt  }
0x42: {  	_ =	shalt  }
0x43: {  	_ =	shalt  }
0x44: {  	_ =	shalt  }
0x45: {  	_ =	shalt  }
0x46: {  	_ =	shalt  }
0x47: {  	_ =	shalt  }
0x48: {  	_ =	shalt  }
0x49: {  	_ =	shalt  }
0x4a: {  	_ =	shalt  }
0x4b: {  	_ =	shalt  }
0x4c: {  	_ =	shalt  }
0x4d: {  	_ =	shalt  }
0x4e: {  	_ =	shalt  }
0x4f: {  	_ =	shalt  }
0x50: {  	_ =	shalt  }
0x51: {  	_ =	shalt  }
0x52: {  	_ =	shalt  }
0x53: {  	_ =	shalt  }
0x54: {  	_ =	shalt  }
0x55: {  	_ =	shalt  }
0x56: {  	_ =	shalt  }
0x57: {  	_ =	shalt  }
0x58: {  	_ =	shalt  }
0x59: {  	_ =	shalt  }
0x5a: {  	_ =	shalt  }
0x5b: {  	_ =	shalt  }
0x5c: {  	_ =	shalt  }
0x5d: {  	_ =	shalt  }
0x5e: {  	_ =	shalt  }
0x5f: {  	_ =	shalt  }
0x60: {  	_ =	shalt  }
0x61: {  	_ =	shalt  }
0x62: {  	_ =	shalt  }
0x63: {  	_ =	shalt  }
0x64: {  	_ =	shalt  }
0x65: {  	_ =	shalt  }
0x66: {  	_ =	shalt  }
0x67: {  	_ =	shalt  }
0x68: {  	_ =	shalt  }
0x69: {  	_ =	shalt  }
0x6a: {  	_ =	shalt  }
0x6b: {  	_ =	shalt  }
0x6c: {  	_ =	shalt  }
0x6d: {  	_ =	shalt  }
0x6e: {  	_ =	shalt  }
0x6f: {  	_ =	shalt  }
0x70: {  	_ =	shalt  }
0x71: {  	_ =	shalt  }
0x72: {  	_ =	shalt  }
0x73: {  	_ =	shalt  }
0x74: {  	_ =	shalt  }
0x75: {  	_ =	shalt  }
0x76: {  	_ =	shalt  }
0x77: {  	_ =	shalt  }
0x78: {  	_ =	shalt  }
0x79: {  	_ =	shalt  }
0x7a: {  	_ =	shalt  }
0x7b: {  	_ =	shalt  }
0x7c: {  	_ =	shalt  }
0x7d: {  	_ =	shalt  }
0x7e: {  	_ =	shalt  }
0x7f: {  	_ =	shalt  }
0x80: {  	_ =	shalt  }
0x81: {  	_ =	shalt  }
0x82: {  	_ =	shalt  }
0x83: {  	_ =	shalt  }
0x84: {  	_ =	shalt  }
0x85: {  	_ =	shalt  }
0x86: {  	_ =	shalt  }
0x87: {  	_ =	shalt  }
.Lfunc_end0:
.L_simem_size_0:
called_computation_lowered:
.L_overlay_start_0:
0x88: {  	s2 =	sld [smem:$0x3FD9]  }
0x89: {  	s3 =	sld [smem:$0x3FFE];
	_ =	sdelay $0x1  }
0x8a: {  	s1 =	srdreg.scid  }
0x8b: {  	s0 =	sand.u32 $0x1, s1  }
0x8c: {  	s17 =	sshll.u32 s0, $0xA;
	s2 =	sadd.s32 s3, s2  }
0x8d: {  	s2 =	sadd.s32 s2, s17  }
0x8e: {  	[smem:$0x3FC6] =	sst s2  }
0x8f: {  	_ = 	snop  }
0x90: {  	s2 =	sld [smem:$0x3FC8]  }
0x91: {  	s18 =	sld [smem:$0x3FD0];
	(tm) =	ssettm $0x1  }
0x92: {  	s4 =	sld [smem:$0x3FFB];
	_ =	sdelay $0x3  }
0x93: {  	_ =	strace s4  }
0x94: {  	s4 =	sld [smem:$0x3FFC];
	_ =	sdelay $0x3  }
0x95: {  	_ =	strace s4  }
0x96: {  	s4 =	sld [smem:$0x3FFD];
	_ =	sdelay $0x3  }
0x97: {  	_ =	strace s4  }
0x98: {  	_ =	strace $0x8FFFFFFF  }
0x99: {  	s19 =	sld [smem:$0x3FDB];
	_ =	sdelay $0x1  }
0x9a: {  	s5 =	simm.s32 $_scs_section_size  }
0x9b: {  	s6 =	simm.s32 $_size__tile_overlayer_lowered;
	s7 =	simm.s32 $_tile_overlayer_lowered  }
0x9c: {  	s22 =	simm.s32 $0x1BFF;
	s21 =	sshll.u32 s7, $0x1;
	s4 =	sadd.s32 s5, s19  }
0x9d: {  	s8 =	simm.s32 $0x0;
	s20 =	sshll.u32 s6, $0x1;
	s6 =	sadd.s32 s21, s4  }
0x9e: {  	[timem:s8], [sflag:s22] =	dma.local [hbm:s6], s20  }
0x9f: {  	_ =	swait.ge [sflag:s22], s20  }
0xa0: {  	s5 =	ssub.s32 $0x0, s20;
	[sflag:s22] =	ssyncset.done $0x0  }
0xa1: {  	[sflag:s22] =	ssyncadd.s32 s5;
	_ =	sdelay $0x1  }
0xa2: {  	s23 =	simm.s32 $0x1B8B  }
0xa3: {  	_ =	swait.ge [sflag:s23], $0x1  }
0xa4: {  	[sflag:s23] =	ssyncset.done $0x0  }
0xa5: {  	s25 =	simm.s32 $0x1B8E;
	s24 =	sld [smem:$0x3FFE];
	[sflag:s23] =	ssyncadd.s32 $0xFFFFFFFF  }
0xa6: {  	s26 =	simm.s32 $execute0_lowered;
	[smem:$0x3FD2] =	sst s25  }
0xa7: {  	s6 =	sshll.u32 s26, $0x1;
	_ =	strace $0x80000046;
	[dreg:$0x1] =	wrdreg $0xFFFFFFFF  }
0xa8: {  	s28 =	simm.s32 $_size_execute0_lowered;
	s4 =	sadd.s32 s4, s6;
	[dreg:$0x0] =	wrdreg $0x0  }
0xa9: {  	s6 =	sshll.u32 s28, $0x1;
	[dreg:$0x2] =	wrdreg s4  }
0xaa: {  	[dreg:$0x3] =	wrdreg s6  }
0xab: {  	[dreg:$0x4] =	wrdreg $0xC0  }
0xac: {  	_ =	task [dreg:s8], $0x5FFFF  }
0xad: {  	[dreg:$0x1] =	wrdreg $0xFFFFFFFF  }
0xae: {  	[dreg:$0x0] =	wrdreg $0x60  }
0xaf: {  	[dreg:$0x2] =	wrdreg s2  }
0xb0: {  	[dreg:$0x3] =	wrdreg s24  }
0xb1: {  	[dreg:$0x4] =	wrdreg s18  }
0xb2: {  	[dreg:$0x5] =	wrdreg $0x9  }
0xb3: {  	_ =	task.clear_ibuf [dreg:s8], $0x6FFFF;
	_ =	strace $0x90000046  }
0xb4: {  	s29 =	simm.s32 $0x9;
	_ =	strace $0x80000048  }
0xb5: {  	_ =	swait.ge [sflag:s29], $0x1  }
0xb6: {  	[sflag:s29] =	ssyncadd.s32 $0xFFFFFFFF  }
0xb7: {  	_ =	strace $0x90000048  }
0xb8: {  	_ =	sfence  }
0xb9: {  	s30 =	sld [smem:$0x0];
	_ =	sdelay $0x2  }
0xba: {  	s31 =	sshll.u32 s1, $0xD;
	s1 =	sshrl.u32 s1, $0x2  }
0xbb: {  	s3 =	sand.u32 $0x4000, s31;
	s1 =	sadd.s32 s1, s30  }
0xbc: {  	s0 =	sor.u32 s3, s0;
	s1 =	sshll.u32 s1, $0x11  }
0xbd: {  	s0 =	sor.u32 s1, s0  }
0xbe: {  	s0 =	sadd.s32 $0x8F2B, s0  }
0xbf: {  	[sflag:s0] =	ssyncadd.remote.s32 $0x1  }
0xc0: {  	_ =	sfence.sel $0xFFFF  }
0xc1: {  	[dreg:$0x0] =	wrdreg $0xFFFFFFFF;
	(pc) =	sbr.abs _section_cstart, $3  }
0xc2: {  	[dreg:$0x1] =	wrdreg $0xFFFFFFFF  }
0xc3: {  	_ =	task.clear_ibuf [dreg:s8], $0x2FFFF;
	_ =	strace $0x9FFFFFFF  }
0xc4: {  	(tm) =	ssettm $0x7FFFFFFF  }
0xc5: {  	_ =	shalt  }
tec
execute0_lowered:
.L_overlay_start_1:
0x0: {  	(tag) =	ssettag $0x1  }
0x1: {  	s2 =	rddreg [dreg:$0x0]  }
0x2: {  	s0 =	rddreg [dreg:$0x1];
	s1 =	srdreg.scid  }
0x3: {  	s4 =	rddreg [dreg:$0x2];
	s13 =	stileid.u32  }
0x4: {  	s3 =	simm.s32 $0x0;
	s28 =	simm.s32 $0x4A00;
	s1 =	sand.u32 $0x1, s1  }
0x5: {  	s5 =	sshll.u32 s13, $0xA;
	s6 =	sshll.u32 s1, $0x9;
	s24 =	ssub.s32 $0x2, s1  }
0x6: {  	s31 =	simm.s32 $0xCA00;
	s9 =	sor.u32 s6, s5;
	s7 =	sshrl.u32 s24, $0x1  }
0x7: {  	[smem:$0x7FF] =	sst s3;
	s11 =	ssub.s32 s24, s7;
	s25 =	sshll.u32 s9, $0x8  }
0x8: {  	s6 =	sshrl.u32 s9, $0x3;
	s14 =	sadd.s32 s4, s25;
	s25 =	smax.u32 s11, $0x1  }
0x9: {  	_ =	strace $0x80000047;
	s0 =	sadd.s32 s6, s0;
	[dreg:$0x13] =	wrdreg s25  }
0xa: {  	s29 =	simm.s32 $0x7;
	s0 =	sadd.s32 $0x400, s0;
	[dreg:$0x6] =	wrdreg s14  }
0xb: {  	s8 =	sadd.s32 $0x400, s2;
	s26 =	sadd.s32 $0x1000, s14;
	[dreg:$0x5] =	wrdreg s0  }
0xc: {  	s10 =	sadd.s32 $0x600, s2;
	s30 =	sadd.s32 $0x1800, s14;
	[dreg:$0x8] =	wrdreg s26  }
0xd: {  	s12 =	sadd.s32 $0x700, s2;
	s15 =	sadd.s32 $0x2000, s14;
	[dreg:$0x9] =	wrdreg s30  }
0xe: {  	s19 =	sshll.u32 s13, $0x12;
	s16 =	sadd.s32 $0x2800, s14;
	[dreg:$0xa] =	wrdreg s15  }
0xf: {  	s13 =	simm.s32 $0xE;
	s17 =	sadd.s32 $0x3000, s14;
	[dreg:$0xb] =	wrdreg s16  }
0x10: {  	s1 =	sshll.u32 s1, $0x11;
	s18 =	sadd.s32 $0x1C000, s14;
	[dreg:$0xc] =	wrdreg s17  }
0x11: {  	s5 =	sadd.s32 $0x100, s2;
	s20 =	sadd.s32 $0x1C800, s14;
	[dreg:$0xd] =	wrdreg s18  }
0x12: {  	s7 =	sadd.s32 $0x300, s2;
	s21 =	sadd.s32 $0x1D000, s14;
	[dreg:$0xe] =	wrdreg s20  }
0x13: {  	s9 =	sadd.s32 $0x500, s2;
	s22 =	sadd.s32 $0x1D800, s14;
	[dreg:$0xf] =	wrdreg s21  }
0x14: {  	s6 =	sadd.s32 $0x200, s2;
	s23 =	sadd.s32 $0x1E000, s14;
	[dreg:$0x10] =	wrdreg s22  }
0x15: {  	s11 =	simm.s32 $0x6;
	s24 =	sadd.s32 $0x1E800, s14;
	[dreg:$0x11] =	wrdreg s23  }
0x16: {  	s25 =	simm.s32 $0x5;
	s0 =	sadd.s32 $0x800, s14;
	[dreg:$0x12] =	wrdreg s24  }
0x17: {  	s26 =	sadd.s32 $0x1F000, s14;
	s30 =	sadd.s32 $0x1F800, s14;
	s14 =	simm.s32 $0x9200  }
0x18: {  	s18 =	simm.s32 $0x10A00;
	s21 =	simm.s32 $0x8;
	[dreg:$0x7] =	wrdreg s0  }
0x19: {  	s23 =	simm.s32 $0x9;
	s17 =	simm.s32 $0xD;
	[dreg:$0x14] =	wrdreg s26  }
0x1a: {  	v0 =	vlaneseq.u32;
	s16 =	simm.s32 $0x0;
	s0 =	sadd.s32 s19, s4;
	[dreg:$0x15] =	wrdreg s30  }
0x1b: {  	v1 =	vshrl.u32 v0, $0x3;
	s26 =	simm.s32 $0xA;
	s4 =	simm.s32 $0xC;
	s0 =	sadd.s32 s1, s0  }
0x1c: {  	vm0 =	vmmov $0xffff;
	v0 =	vand.u32 $0x7, v0;
	v1 =	vmul.u32 $0x8, v1;
	s1 =	simm.s32 $0xB;
	[dreg:$0x4] =	wrdreg s0;
	s0 =	simm.s32 $0x8A00  }
.LBB2_1:
0x1d: {  	[dreg:$0x16] =	wrdreg s16  }
0x1e: {  	s15 =	rddreg [dreg:$0x5];
	s20 =	simm.s32 $0xF  }
0x1f: {  	[tilespmem:s3], [sflag:$0xF] =	stream.linear.gather [hbm4b:s15+s3], $0x200, $0x38;
	[tilespmem:$0x1C200] =	vst v63  }
0x20: {  	_ =	swait.ge [sflag:s20], $0x200  }
0x21: {  	[sflag:s20] =	ssyncset.done $0x0  }
0x22: {  	[sflag:s20] =	ssyncadd.s32 $0xFFFFFE00  }
0x23: {  	v2 =	vld.msk [tilespmem:$0x0], $0xff;
	_ =	sdelay $0x4  }
0x24: {  	v3 =	vshll.u32 v2, $0x4  }
0x25: {  	v2 =	vand.u32 $0x7, v2;
	v3 =	vand.u32 $0xFFFFFF80, v3  }
0x26: {  	v2 =	vor.u32 v2, v3  }
0x27: {  	v2 =	vperm.xlane v2, v0;
	_ =	sdelay $0x1  }
0x28: {  	v2 =	vadd.s32 v1, v2;
	_ =	sdelay $0x3  }
0x29: {  	s16 =	simm.s32 $0x200  }
0x2a: {  	[tilespmem:s16], [sflag:$0x1] =	stream.indirect_vreg.gather [hbm4b:s2+s3], $0x80, v2, vm0, $0xb8;
	[tilespmem:$0x1C200] =	vst v63  }
0x2b: {  	s22 =	simm.s32 $0xA00  }
0x2c: {  	[tilespmem:s22], [sflag:$0x1] =	stream.indirect_vreg.gather [hbm4b:s5+s3], $0x80, v2, vm0, $0xb8;
	[tilespmem:$0x1C200] =	vst v63  }
0x2d: {  	s24 =	simm.s32 $0x1200  }
0x2e: {  	[tilespmem:s24], [sflag:$0x1] =	stream.indirect_vreg.gather [hbm4b:s6+s3], $0x80, v2, vm0, $0xb8;
	[tilespmem:$0x1C200] =	vst v63  }
0x2f: {  	s30 =	simm.s32 $0x1A00  }
0x30: {  	[tilespmem:s30], [sflag:$0x1] =	stream.indirect_vreg.gather [hbm4b:s7+s3], $0x80, v2, vm0, $0xb8;
	[tilespmem:$0x1C200] =	vst v63  }
0x31: {  	s19 =	simm.s32 $0x2200  }
0x32: {  	[tilespmem:s19], [sflag:$0x1] =	stream.indirect_vreg.gather [hbm4b:s8+s3], $0x80, v2, vm0, $0xb8;
	[tilespmem:$0x1C200] =	vst v63  }
0x33: {  	s20 =	simm.s32 $0x2A00  }
0x34: {  	[tilespmem:s20], [sflag:$0x1] =	stream.indirect_vreg.gather [hbm4b:s9+s3], $0x80, v2, vm0, $0xb8;
	[tilespmem:$0x1C200] =	vst v63  }
0x35: {  	s22 =	simm.s32 $0x3200  }
0x36: {  	[tilespmem:s22], [sflag:$0x1] =	stream.indirect_vreg.gather [hbm4b:s10+s3], $0x80, v2, vm0, $0xb8;
	[tilespmem:$0x1C200] =	vst v63  }
0x37: {  	s24 =	simm.s32 $0x3A00  }
0x38: {  	[tilespmem:s24], [sflag:$0x1] =	stream.indirect_vreg.gather [hbm4b:s12+s3], $0x80, v2, vm0, $0xb8;
	[tilespmem:$0x1C200] =	vst v63  }
0x39: {  	v2 =	vld.msk [tilespmem:$0x8], $0xff;
	_ =	sdelay $0x4  }
0x3a: {  	v3 =	vshll.u32 v2, $0x4  }
0x3b: {  	v2 =	vand.u32 $0x7, v2;
	v3 =	vand.u32 $0xFFFFFF80, v3  }
0x3c: {  	v2 =	vor.u32 v2, v3  }
0x3d: {  	v2 =	vperm.xlane v2, v0;
	_ =	sdelay $0x1  }
0x3e: {  	v2 =	vadd.s32 v1, v2;
	_ =	sdelay $0x3  }
0x3f: {  	s19 =	simm.s32 $0x4200  }
0x40: {  	[tilespmem:s19], [sflag:$0x2] =	stream.indirect_vreg.gather [hbm4b:s2+s3], $0x80, v2, vm0, $0xb8;
	[tilespmem:$0x1C200] =	vst v63  }
0x41: {  	_ = 	snop  }
0x42: {  	[tilespmem:s28], [sflag:$0x2] =	stream.indirect_vreg.gather [hbm4b:s5+s3], $0x80, v2, vm0, $0xb8;
	[tilespmem:$0x1C200] =	vst v63  }
0x43: {  	s30 =	simm.s32 $0x5200  }
0x44: {  	[tilespmem:s30], [sflag:$0x2] =	stream.indirect_vreg.gather [hbm4b:s6+s3], $0x80, v2, vm0, $0xb8;
	[tilespmem:$0x1C200] =	vst v63  }
0x45: {  	s20 =	simm.s32 $0x5A00  }
0x46: {  	[tilespmem:s20], [sflag:$0x2] =	stream.indirect_vreg.gather [hbm4b:s7+s3], $0x80, v2, vm0, $0xb8;
	[tilespmem:$0x1C200] =	vst v63  }
0x47: {  	s22 =	simm.s32 $0x6200  }
0x48: {  	[tilespmem:s22], [sflag:$0x2] =	stream.indirect_vreg.gather [hbm4b:s8+s3], $0x80, v2, vm0, $0xb8;
	[tilespmem:$0x1C200] =	vst v63  }
0x49: {  	s24 =	simm.s32 $0x6A00  }
0x4a: {  	[tilespmem:s24], [sflag:$0x2] =	stream.indirect_vreg.gather [hbm4b:s9+s3], $0x80, v2, vm0, $0xb8;
	[tilespmem:$0x1C200] =	vst v63  }
0x4b: {  	s30 =	simm.s32 $0x7200  }
0x4c: {  	[tilespmem:s30], [sflag:$0x2] =	stream.indirect_vreg.gather [hbm4b:s10+s3], $0x80, v2, vm0, $0xb8;
	[tilespmem:$0x1C200] =	vst v63  }
0x4d: {  	s20 =	simm.s32 $0x7A00  }
0x4e: {  	[tilespmem:s20], [sflag:$0x2] =	stream.indirect_vreg.gather [hbm4b:s12+s3], $0x80, v2, vm0, $0xb8;
	[tilespmem:$0x1C200] =	vst v63  }
0x4f: {  	v2 =	vld.msk [tilespmem:$0x10], $0xff;
	_ =	sdelay $0x4  }
0x50: {  	v3 =	vshll.u32 v2, $0x4  }
0x51: {  	v2 =	vand.u32 $0x7, v2;
	v3 =	vand.u32 $0xFFFFFF80, v3  }
0x52: {  	v2 =	vor.u32 v2, v3  }
0x53: {  	v2 =	vperm.xlane v2, v0;
	_ =	sdelay $0x1  }
0x54: {  	v2 =	vadd.s32 v1, v2;
	_ =	sdelay $0x3  }
0x55: {  	s24 =	simm.s32 $0x8200  }
0x56: {  	[tilespmem:s24], [sflag:$0x3] =	stream.indirect_vreg.gather [hbm4b:s2+s3], $0x80, v2, vm0, $0xb8;
	[tilespmem:$0x1C200] =	vst v63  }
0x57: {  	_ = 	snop  }
0x58: {  	[tilespmem:s0], [sflag:$0x3] =	stream.indirect_vreg.gather [hbm4b:s5+s3], $0x80, v2, vm0, $0xb8;
	[tilespmem:$0x1C200] =	vst v63  }
0x59: {  	_ = 	snop  }
0x5a: {  	[tilespmem:s14], [sflag:$0x3] =	stream.indirect_vreg.gather [hbm4b:s6+s3], $0x80, v2, vm0, $0xb8;
	[tilespmem:$0x1C200] =	vst v63  }
0x5b: {  	s22 =	simm.s32 $0x9A00  }
0x5c: {  	[tilespmem:s22], [sflag:$0x3] =	stream.indirect_vreg.gather [hbm4b:s7+s3], $0x80, v2, vm0, $0xb8;
	[tilespmem:$0x1C200] =	vst v63  }
0x5d: {  	s30 =	simm.s32 $0xA200  }
0x5e: {  	[tilespmem:s30], [sflag:$0x3] =	stream.indirect_vreg.gather [hbm4b:s8+s3], $0x80, v2, vm0, $0xb8;
	[tilespmem:$0x1C200] =	vst v63  }
0x5f: {  	s20 =	simm.s32 $0xAA00  }
0x60: {  	[tilespmem:s20], [sflag:$0x3] =	stream.indirect_vreg.gather [hbm4b:s9+s3], $0x80, v2, vm0, $0xb8;
	[tilespmem:$0x1C200] =	vst v63  }
0x61: {  	s22 =	simm.s32 $0xB200  }
0x62: {  	[tilespmem:s22], [sflag:$0x3] =	stream.indirect_vreg.gather [hbm4b:s10+s3], $0x80, v2, vm0, $0xb8;
	[tilespmem:$0x1C200] =	vst v63  }
0x63: {  	s30 =	simm.s32 $0xBA00  }
0x64: {  	[tilespmem:s30], [sflag:$0x3] =	stream.indirect_vreg.gather [hbm4b:s12+s3], $0x80, v2, vm0, $0xb8;
	[tilespmem:$0x1C200] =	vst v63  }
0x65: {  	v2 =	vld.msk [tilespmem:$0x18], $0xff;
	_ =	sdelay $0x4  }
0x66: {  	v3 =	vshll.u32 v2, $0x4  }
0x67: {  	v2 =	vand.u32 $0x7, v2;
	v3 =	vand.u32 $0xFFFFFF80, v3  }
0x68: {  	v2 =	vor.u32 v2, v3  }
0x69: {  	v2 =	vperm.xlane v2, v0;
	_ =	sdelay $0x1  }
0x6a: {  	v2 =	vadd.s32 v1, v2;
	_ =	sdelay $0x3  }
0x6b: {  	s30 =	simm.s32 $0xC200  }
0x6c: {  	[tilespmem:s30], [sflag:$0x4] =	stream.indirect_vreg.gather [hbm4b:s2+s3], $0x80, v2, vm0, $0xb8;
	[tilespmem:$0x1C200] =	vst v63  }
0x6d: {  	_ = 	snop  }
0x6e: {  	[tilespmem:s31], [sflag:$0x4] =	stream.indirect_vreg.gather [hbm4b:s5+s3], $0x80, v2, vm0, $0xb8;
	[tilespmem:$0x1C200] =	vst v63  }
0x6f: {  	s20 =	simm.s32 $0xD200  }
0x70: {  	[tilespmem:s20], [sflag:$0x4] =	stream.indirect_vreg.gather [hbm4b:s6+s3], $0x80, v2, vm0, $0xb8;
	[tilespmem:$0x1C200] =	vst v63  }
0x71: {  	s22 =	simm.s32 $0xDA00  }
0x72: {  	[tilespmem:s22], [sflag:$0x4] =	stream.indirect_vreg.gather [hbm4b:s7+s3], $0x80, v2, vm0, $0xb8;
	[tilespmem:$0x1C200] =	vst v63  }
0x73: {  	s20 =	simm.s32 $0xE200  }
0x74: {  	[tilespmem:s20], [sflag:$0x4] =	stream.indirect_vreg.gather [hbm4b:s8+s3], $0x80, v2, vm0, $0xb8;
	[tilespmem:$0x1C200] =	vst v63  }
0x75: {  	s22 =	simm.s32 $0xEA00  }
0x76: {  	[tilespmem:s22], [sflag:$0x4] =	stream.indirect_vreg.gather [hbm4b:s9+s3], $0x80, v2, vm0, $0xb8;
	[tilespmem:$0x1C200] =	vst v63  }
0x77: {  	s20 =	simm.s32 $0xF200  }
0x78: {  	[tilespmem:s20], [sflag:$0x4] =	stream.indirect_vreg.gather [hbm4b:s10+s3], $0x80, v2, vm0, $0xb8;
	[tilespmem:$0x1C200] =	vst v63  }
0x79: {  	s22 =	simm.s32 $0xFA00  }
0x7a: {  	[tilespmem:s22], [sflag:$0x4] =	stream.indirect_vreg.gather [hbm4b:s12+s3], $0x80, v2, vm0, $0xb8;
	[tilespmem:$0x1C200] =	vst v63  }
0x7b: {  	v2 =	vld.msk [tilespmem:$0x20], $0xff;
	_ =	sdelay $0x4  }
0x7c: {  	v3 =	vshll.u32 v2, $0x4  }
0x7d: {  	v2 =	vand.u32 $0x7, v2;
	v3 =	vand.u32 $0xFFFFFF80, v3  }
0x7e: {  	v2 =	vor.u32 v2, v3  }
0x7f: {  	v2 =	vperm.xlane v2, v0;
	_ =	sdelay $0x1  }
0x80: {  	v2 =	vadd.s32 v1, v2;
	_ =	sdelay $0x3  }
0x81: {  	s20 =	simm.s32 $0x10200  }
0x82: {  	[tilespmem:s20], [sflag:$0x5] =	stream.indirect_vreg.gather [hbm4b:s2+s3], $0x80, v2, vm0, $0xb8;
	[tilespmem:$0x1C200] =	vst v63  }
0x83: {  	_ = 	snop  }
0x84: {  	[tilespmem:s18], [sflag:$0x5] =	stream.indirect_vreg.gather [hbm4b:s5+s3], $0x80, v2, vm0, $0xb8;
	[tilespmem:$0x1C200] =	vst v63  }
0x85: {  	s22 =	simm.s32 $0x11200  }
0x86: {  	[tilespmem:s22], [sflag:$0x5] =	stream.indirect_vreg.gather [hbm4b:s6+s3], $0x80, v2, vm0, $0xb8;
	[tilespmem:$0x1C200] =	vst v63  }
0x87: {  	s20 =	simm.s32 $0x11A00  }
0x88: {  	[tilespmem:s20], [sflag:$0x5] =	stream.indirect_vreg.gather [hbm4b:s7+s3], $0x80, v2, vm0, $0xb8;
	[tilespmem:$0x1C200] =	vst v63  }
0x89: {  	s22 =	simm.s32 $0x12200  }
0x8a: {  	[tilespmem:s22], [sflag:$0x5] =	stream.indirect_vreg.gather [hbm4b:s8+s3], $0x80, v2, vm0, $0xb8;
	[tilespmem:$0x1C200] =	vst v63  }
0x8b: {  	s20 =	simm.s32 $0x12A00  }
0x8c: {  	[tilespmem:s20], [sflag:$0x5] =	stream.indirect_vreg.gather [hbm4b:s9+s3], $0x80, v2, vm0, $0xb8;
	[tilespmem:$0x1C200] =	vst v63  }
0x8d: {  	s22 =	simm.s32 $0x13200  }
0x8e: {  	[tilespmem:s22], [sflag:$0x5] =	stream.indirect_vreg.gather [hbm4b:s10+s3], $0x80, v2, vm0, $0xb8;
	[tilespmem:$0x1C200] =	vst v63  }
0x8f: {  	s20 =	simm.s32 $0x13A00;
	s22 =	simm.s32 $0x1  }
0x90: {  	[tilespmem:s20], [sflag:$0x5] =	stream.indirect_vreg.gather [hbm4b:s12+s3], $0x80, v2, vm0, $0xb8;
	[tilespmem:$0x1C200] =	vst v63  }
0x91: {  	_ =	swait.ge [sflag:s22], $0x4000  }
0x92: {  	[sflag:s22] =	ssyncset.done $0x0  }
0x93: {  	s20 =	rddreg [dreg:$0x6];
	[sflag:s22] =	ssyncadd.s32 $0xFFFFC000  }
0x94: {  	[hbm4b:s20+s3] =	stream.linear.scatter [tilespmem:s16], [sflag:$0x8], $0x4000, $0x38;
	[tilespmem:$0x1C200] =	vst v63  }
0x95: {  	v2 =	vld.msk [tilespmem:$0x28], $0xff;
	_ =	sdelay $0x4  }
0x96: {  	v3 =	vshll.u32 v2, $0x4  }
0x97: {  	v2 =	vand.u32 $0x7, v2;
	v3 =	vand.u32 $0xFFFFFF80, v3  }
0x98: {  	v2 =	vor.u32 v2, v3  }
0x99: {  	v2 =	vperm.xlane v2, v0;
	_ =	sdelay $0x1  }
0x9a: {  	v2 =	vadd.s32 v1, v2;
	_ =	sdelay $0x3  }
0x9b: {  	s20 =	simm.s32 $0x14200  }
0x9c: {  	[tilespmem:s20], [sflag:$0x6] =	stream.indirect_vreg.gather [hbm4b:s2+s3], $0x80, v2, vm0, $0xb8;
	[tilespmem:$0x1C200] =	vst v63  }
0x9d: {  	s22 =	simm.s32 $0x14A00  }
0x9e: {  	[tilespmem:s22], [sflag:$0x6] =	stream.indirect_vreg.gather [hbm4b:s5+s3], $0x80, v2, vm0, $0xb8;
	[tilespmem:$0x1C200] =	vst v63  }
0x9f: {  	s22 =	simm.s32 $0x15200  }
0xa0: {  	[tilespmem:s22], [sflag:$0x6] =	stream.indirect_vreg.gather [hbm4b:s6+s3], $0x80, v2, vm0, $0xb8;
	[tilespmem:$0x1C200] =	vst v63  }
0xa1: {  	s22 =	simm.s32 $0x15A00  }
0xa2: {  	[tilespmem:s22], [sflag:$0x6] =	stream.indirect_vreg.gather [hbm4b:s7+s3], $0x80, v2, vm0, $0xb8;
	[tilespmem:$0x1C200] =	vst v63  }
0xa3: {  	s22 =	simm.s32 $0x16200  }
0xa4: {  	[tilespmem:s22], [sflag:$0x6] =	stream.indirect_vreg.gather [hbm4b:s8+s3], $0x80, v2, vm0, $0xb8;
	[tilespmem:$0x1C200] =	vst v63  }
0xa5: {  	s22 =	simm.s32 $0x16A00  }
0xa6: {  	[tilespmem:s22], [sflag:$0x6] =	stream.indirect_vreg.gather [hbm4b:s9+s3], $0x80, v2, vm0, $0xb8;
	[tilespmem:$0x1C200] =	vst v63  }
0xa7: {  	s22 =	simm.s32 $0x17200  }
0xa8: {  	[tilespmem:s22], [sflag:$0x6] =	stream.indirect_vreg.gather [hbm4b:s10+s3], $0x80, v2, vm0, $0xb8;
	[tilespmem:$0x1C200] =	vst v63  }
0xa9: {  	s22 =	simm.s32 $0x17A00  }
0xaa: {  	[tilespmem:s22], [sflag:$0x6] =	stream.indirect_vreg.gather [hbm4b:s12+s3], $0x80, v2, vm0, $0xb8;
	[tilespmem:$0x1C200] =	vst v63  }
0xab: {  	s22 =	simm.s32 $0x2  }
0xac: {  	_ =	swait.ge [sflag:s22], $0x4000  }
0xad: {  	[sflag:s22] =	ssyncset.done $0x0  }
0xae: {  	[sflag:s22] =	ssyncadd.s32 $0xFFFFC000;
	s22 =	rddreg [dreg:$0x7]  }
0xaf: {  	[hbm4b:s22+s3] =	stream.linear.scatter [tilespmem:s19], [sflag:$0x9], $0x4000, $0x38;
	[tilespmem:$0x1C200] =	vst v63  }
0xb0: {  	v2 =	vld.msk [tilespmem:$0x30], $0xff;
	_ =	sdelay $0x4  }
0xb1: {  	v3 =	vshll.u32 v2, $0x4  }
0xb2: {  	v2 =	vand.u32 $0x7, v2;
	v3 =	vand.u32 $0xFFFFFF80, v3  }
0xb3: {  	v2 =	vor.u32 v2, v3  }
0xb4: {  	v2 =	vperm.xlane v2, v0;
	_ =	sdelay $0x1  }
0xb5: {  	v2 =	vadd.s32 v1, v2;
	_ =	sdelay $0x3  }
0xb6: {  	s22 =	simm.s32 $0x18200  }
0xb7: {  	[tilespmem:s22], [sflag:$0x7] =	stream.indirect_vreg.gather [hbm4b:s2+s3], $0x80, v2, vm0, $0xb8;
	[tilespmem:$0x1C200] =	vst v63  }
0xb8: {  	s15 =	simm.s32 $0x18A00  }
0xb9: {  	[tilespmem:s15], [sflag:$0x7] =	stream.indirect_vreg.gather [hbm4b:s5+s3], $0x80, v2, vm0, $0xb8;
	[tilespmem:$0x1C200] =	vst v63  }
0xba: {  	s15 =	simm.s32 $0x19200  }
0xbb: {  	[tilespmem:s15], [sflag:$0x7] =	stream.indirect_vreg.gather [hbm4b:s6+s3], $0x80, v2, vm0, $0xb8;
	[tilespmem:$0x1C200] =	vst v63  }
0xbc: {  	s15 =	simm.s32 $0x19A00  }
0xbd: {  	[tilespmem:s15], [sflag:$0x7] =	stream.indirect_vreg.gather [hbm4b:s7+s3], $0x80, v2, vm0, $0xb8;
	[tilespmem:$0x1C200] =	vst v63  }
0xbe: {  	s15 =	simm.s32 $0x1A200  }
0xbf: {  	[tilespmem:s15], [sflag:$0x7] =	stream.indirect_vreg.gather [hbm4b:s8+s3], $0x80, v2, vm0, $0xb8;
	[tilespmem:$0x1C200] =	vst v63  }
0xc0: {  	s15 =	simm.s32 $0x1AA00  }
0xc1: {  	[tilespmem:s15], [sflag:$0x7] =	stream.indirect_vreg.gather [hbm4b:s9+s3], $0x80, v2, vm0, $0xb8;
	[tilespmem:$0x1C200] =	vst v63  }
0xc2: {  	s15 =	simm.s32 $0x1B200  }
0xc3: {  	[tilespmem:s15], [sflag:$0x7] =	stream.indirect_vreg.gather [hbm4b:s10+s3], $0x80, v2, vm0, $0xb8;
	[tilespmem:$0x1C200] =	vst v63  }
0xc4: {  	s15 =	simm.s32 $0x1BA00  }
0xc5: {  	[tilespmem:s15], [sflag:$0x7] =	stream.indirect_vreg.gather [hbm4b:s12+s3], $0x80, v2, vm0, $0xb8;
	[tilespmem:$0x1C200] =	vst v63  }
0xc6: {  	s15 =	simm.s32 $0x3  }
0xc7: {  	_ =	swait.ge [sflag:s15], $0x4000  }
0xc8: {  	[sflag:s15] =	ssyncset.done $0x0  }
0xc9: {  	[sflag:s15] =	ssyncadd.s32 $0xFFFFC000;
	s15 =	rddreg [dreg:$0x8]  }
0xca: {  	[hbm4b:s15+s3] =	stream.linear.scatter [tilespmem:s24], [sflag:$0xA], $0x4000, $0x38;
	[tilespmem:$0x1C200] =	vst v63  }
0xcb: {  	_ =	swait.ge [sflag:s21], $0x4000  }
0xcc: {  	[sflag:s21] =	ssyncset.done $0x0  }
0xcd: {  	[sflag:s21] =	ssyncadd.s32 $0xFFFFC000  }
0xce: {  	v2 =	vld.msk [tilespmem:$0x38], $0xff;
	_ =	sdelay $0x4  }
0xcf: {  	v3 =	vshll.u32 v2, $0x4  }
0xd0: {  	v2 =	vand.u32 $0x7, v2;
	v3 =	vand.u32 $0xFFFFFF80, v3  }
0xd1: {  	v2 =	vor.u32 v2, v3  }
0xd2: {  	v2 =	vperm.xlane v2, v0;
	_ =	sdelay $0x1  }
0xd3: {  	v2 =	vadd.s32 v1, v2;
	_ =	sdelay $0x4  }
0xd4: {  	[tilespmem:s16], [sflag:$0x1] =	stream.indirect_vreg.gather [hbm4b:s2+s3], $0x80, v2, vm0, $0xb8;
	[tilespmem:$0x1C200] =	vst v63  }
0xd5: {  	s16 =	simm.s32 $0xA00  }
0xd6: {  	[tilespmem:s16], [sflag:$0x1] =	stream.indirect_vreg.gather [hbm4b:s5+s3], $0x80, v2, vm0, $0xb8;
	[tilespmem:$0x1C200] =	vst v63  }
0xd7: {  	s16 =	simm.s32 $0x1200  }
0xd8: {  	[tilespmem:s16], [sflag:$0x1] =	stream.indirect_vreg.gather [hbm4b:s6+s3], $0x80, v2, vm0, $0xb8;
	[tilespmem:$0x1C200] =	vst v63  }
0xd9: {  	s16 =	simm.s32 $0x1A00  }
0xda: {  	[tilespmem:s16], [sflag:$0x1] =	stream.indirect_vreg.gather [hbm4b:s7+s3], $0x80, v2, vm0, $0xb8;
	[tilespmem:$0x1C200] =	vst v63  }
0xdb: {  	s16 =	simm.s32 $0x2200  }
0xdc: {  	[tilespmem:s16], [sflag:$0x1] =	stream.indirect_vreg.gather [hbm4b:s8+s3], $0x80, v2, vm0, $0xb8;
	[tilespmem:$0x1C200] =	vst v63  }
0xdd: {  	s16 =	simm.s32 $0x2A00  }
0xde: {  	[tilespmem:s16], [sflag:$0x1] =	stream.indirect_vreg.gather [hbm4b:s9+s3], $0x80, v2, vm0, $0xb8;
	[tilespmem:$0x1C200] =	vst v63  }
0xdf: {  	s16 =	simm.s32 $0x3200  }
0xe0: {  	[tilespmem:s16], [sflag:$0x1] =	stream.indirect_vreg.gather [hbm4b:s10+s3], $0x80, v2, vm0, $0xb8;
	[tilespmem:$0x1C200] =	vst v63  }
0xe1: {  	s16 =	simm.s32 $0x3A00  }
0xe2: {  	[tilespmem:s16], [sflag:$0x1] =	stream.indirect_vreg.gather [hbm4b:s12+s3], $0x80, v2, vm0, $0xb8;
	[tilespmem:$0x1C200] =	vst v63  }
0xe3: {  	s16 =	simm.s32 $0x4  }
0xe4: {  	_ =	swait.ge [sflag:s16], $0x4000  }
0xe5: {  	[sflag:s16] =	ssyncset.done $0x0  }
0xe6: {  	[sflag:s16] =	ssyncadd.s32 $0xFFFFC000;
	s16 =	rddreg [dreg:$0x9]  }
0xe7: {  	[hbm4b:s16+s3] =	stream.linear.scatter [tilespmem:s30], [sflag:$0xB], $0x4000, $0x38;
	[tilespmem:$0x1C200] =	vst v63  }
0xe8: {  	_ =	swait.ge [sflag:s23], $0x4000  }
0xe9: {  	[sflag:s23] =	ssyncset.done $0x0  }
0xea: {  	[sflag:s23] =	ssyncadd.s32 $0xFFFFC000  }
0xeb: {  	v2 =	vld.msk [tilespmem:$0x40], $0xff;
	_ =	sdelay $0x4  }
0xec: {  	v3 =	vshll.u32 v2, $0x4  }
0xed: {  	v2 =	vand.u32 $0x7, v2;
	v3 =	vand.u32 $0xFFFFFF80, v3  }
0xee: {  	v2 =	vor.u32 v2, v3  }
0xef: {  	v2 =	vperm.xlane v2, v0;
	_ =	sdelay $0x1  }
0xf0: {  	v2 =	vadd.s32 v1, v2;
	_ =	sdelay $0x4  }
0xf1: {  	[tilespmem:s19], [sflag:$0x2] =	stream.indirect_vreg.gather [hbm4b:s2+s3], $0x80, v2, vm0, $0xb8;
	[tilespmem:$0x1C200] =	vst v63  }
0xf2: {  	_ = 	snop  }
0xf3: {  	[tilespmem:s28], [sflag:$0x2] =	stream.indirect_vreg.gather [hbm4b:s5+s3], $0x80, v2, vm0, $0xb8;
	[tilespmem:$0x1C200] =	vst v63  }
0xf4: {  	s28 =	simm.s32 $0x5200  }
0xf5: {  	[tilespmem:s28], [sflag:$0x2] =	stream.indirect_vreg.gather [hbm4b:s6+s3], $0x80, v2, vm0, $0xb8;
	[tilespmem:$0x1C200] =	vst v63  }
0xf6: {  	s16 =	simm.s32 $0x5A00  }
0xf7: {  	[tilespmem:s16], [sflag:$0x2] =	stream.indirect_vreg.gather [hbm4b:s7+s3], $0x80, v2, vm0, $0xb8;
	[tilespmem:$0x1C200] =	vst v63  }
0xf8: {  	s19 =	simm.s32 $0x6200  }
0xf9: {  	[tilespmem:s19], [sflag:$0x2] =	stream.indirect_vreg.gather [hbm4b:s8+s3], $0x80, v2, vm0, $0xb8;
	[tilespmem:$0x1C200] =	vst v63  }
0xfa: {  	s28 =	simm.s32 $0x6A00  }
0xfb: {  	[tilespmem:s28], [sflag:$0x2] =	stream.indirect_vreg.gather [hbm4b:s9+s3], $0x80, v2, vm0, $0xb8;
	[tilespmem:$0x1C200] =	vst v63  }
0xfc: {  	s16 =	simm.s32 $0x7200  }
0xfd: {  	[tilespmem:s16], [sflag:$0x2] =	stream.indirect_vreg.gather [hbm4b:s10+s3], $0x80, v2, vm0, $0xb8;
	[tilespmem:$0x1C200] =	vst v63  }
0xfe: {  	s19 =	simm.s32 $0x7A00  }
0xff: {  	[tilespmem:s19], [sflag:$0x2] =	stream.indirect_vreg.gather [hbm4b:s12+s3], $0x80, v2, vm0, $0xb8;
	[tilespmem:$0x1C200] =	vst v63  }
0x100: {  	_ =	swait.ge [sflag:s25], $0x4000  }
0x101: {  	[sflag:s25] =	ssyncset.done $0x0  }
0x102: {  	s16 =	simm.s32 $0x10200;
	s28 =	rddreg [dreg:$0xa];
	[sflag:s25] =	ssyncadd.s32 $0xFFFFC000  }
0x103: {  	[hbm4b:s28+s3] =	stream.linear.scatter [tilespmem:s16], [sflag:$0xC], $0x4000, $0x38;
	[tilespmem:$0x1C200] =	vst v63  }
0x104: {  	_ =	swait.ge [sflag:s26], $0x4000  }
0x105: {  	[sflag:s26] =	ssyncset.done $0x0  }
0x106: {  	[sflag:s26] =	ssyncadd.s32 $0xFFFFC000  }
0x107: {  	v2 =	vld.msk [tilespmem:$0x48], $0xff;
	_ =	sdelay $0x4  }
0x108: {  	v3 =	vshll.u32 v2, $0x4  }
0x109: {  	v2 =	vand.u32 $0x7, v2;
	v3 =	vand.u32 $0xFFFFFF80, v3  }
0x10a: {  	v2 =	vor.u32 v2, v3  }
0x10b: {  	v2 =	vperm.xlane v2, v0;
	_ =	sdelay $0x1  }
0x10c: {  	v2 =	vadd.s32 v1, v2;
	_ =	sdelay $0x4  }
0x10d: {  	[tilespmem:s24], [sflag:$0x3] =	stream.indirect_vreg.gather [hbm4b:s2+s3], $0x80, v2, vm0, $0xb8;
	[tilespmem:$0x1C200] =	vst v63  }
0x10e: {  	_ = 	snop  }
0x10f: {  	[tilespmem:s0], [sflag:$0x3] =	stream.indirect_vreg.gather [hbm4b:s5+s3], $0x80, v2, vm0, $0xb8;
	[tilespmem:$0x1C200] =	vst v63  }
0x110: {  	_ = 	snop  }
0x111: {  	[tilespmem:s14], [sflag:$0x3] =	stream.indirect_vreg.gather [hbm4b:s6+s3], $0x80, v2, vm0, $0xb8;
	[tilespmem:$0x1C200] =	vst v63  }
0x112: {  	s19 =	simm.s32 $0x9A00  }
0x113: {  	[tilespmem:s19], [sflag:$0x3] =	stream.indirect_vreg.gather [hbm4b:s7+s3], $0x80, v2, vm0, $0xb8;
	[tilespmem:$0x1C200] =	vst v63  }
0x114: {  	s24 =	simm.s32 $0xA200  }
0x115: {  	[tilespmem:s24], [sflag:$0x3] =	stream.indirect_vreg.gather [hbm4b:s8+s3], $0x80, v2, vm0, $0xb8;
	[tilespmem:$0x1C200] =	vst v63  }
0x116: {  	s28 =	simm.s32 $0xAA00  }
0x117: {  	[tilespmem:s28], [sflag:$0x3] =	stream.indirect_vreg.gather [hbm4b:s9+s3], $0x80, v2, vm0, $0xb8;
	[tilespmem:$0x1C200] =	vst v63  }
0x118: {  	s14 =	simm.s32 $0xB200  }
0x119: {  	[tilespmem:s14], [sflag:$0x3] =	stream.indirect_vreg.gather [hbm4b:s10+s3], $0x80, v2, vm0, $0xb8;
	[tilespmem:$0x1C200] =	vst v63  }
0x11a: {  	s15 =	simm.s32 $0xBA00  }
0x11b: {  	[tilespmem:s15], [sflag:$0x3] =	stream.indirect_vreg.gather [hbm4b:s12+s3], $0x80, v2, vm0, $0xb8;
	[tilespmem:$0x1C200] =	vst v63  }
0x11c: {  	_ =	swait.ge [sflag:s11], $0x4000  }
0x11d: {  	[sflag:s11] =	ssyncset.done $0x0  }
0x11e: {  	s19 =	rddreg [dreg:$0xb];
	[sflag:s11] =	ssyncadd.s32 $0xFFFFC000  }
0x11f: {  	[hbm4b:s19+s3] =	stream.linear.scatter [tilespmem:s20], [sflag:$0xD], $0x4000, $0x38;
	[tilespmem:$0x1C200] =	vst v63  }
0x120: {  	_ =	swait.ge [sflag:s1], $0x4000  }
0x121: {  	[sflag:s1] =	ssyncset.done $0x0  }
0x122: {  	[sflag:s1] =	ssyncadd.s32 $0xFFFFC000  }
0x123: {  	v2 =	vld.msk [tilespmem:$0x50], $0xff;
	_ =	sdelay $0x4  }
0x124: {  	v3 =	vshll.u32 v2, $0x4  }
0x125: {  	v2 =	vand.u32 $0x7, v2;
	v3 =	vand.u32 $0xFFFFFF80, v3  }
0x126: {  	v2 =	vor.u32 v2, v3  }
0x127: {  	v2 =	vperm.xlane v2, v0;
	_ =	sdelay $0x1  }
0x128: {  	v2 =	vadd.s32 v1, v2;
	_ =	sdelay $0x4  }
0x129: {  	[tilespmem:s30], [sflag:$0x4] =	stream.indirect_vreg.gather [hbm4b:s2+s3], $0x80, v2, vm0, $0xb8;
	[tilespmem:$0x1C200] =	vst v63  }
0x12a: {  	_ = 	snop  }
0x12b: {  	[tilespmem:s31], [sflag:$0x4] =	stream.indirect_vreg.gather [hbm4b:s5+s3], $0x80, v2, vm0, $0xb8;
	[tilespmem:$0x1C200] =	vst v63  }
0x12c: {  	s24 =	simm.s32 $0xD200  }
0x12d: {  	[tilespmem:s24], [sflag:$0x4] =	stream.indirect_vreg.gather [hbm4b:s6+s3], $0x80, v2, vm0, $0xb8;
	[tilespmem:$0x1C200] =	vst v63  }
0x12e: {  	s28 =	simm.s32 $0xDA00  }
0x12f: {  	[tilespmem:s28], [sflag:$0x4] =	stream.indirect_vreg.gather [hbm4b:s7+s3], $0x80, v2, vm0, $0xb8;
	[tilespmem:$0x1C200] =	vst v63  }
0x130: {  	s30 =	simm.s32 $0xE200  }
0x131: {  	[tilespmem:s30], [sflag:$0x4] =	stream.indirect_vreg.gather [hbm4b:s8+s3], $0x80, v2, vm0, $0xb8;
	[tilespmem:$0x1C200] =	vst v63  }
0x132: {  	s31 =	simm.s32 $0xEA00  }
0x133: {  	[tilespmem:s31], [sflag:$0x4] =	stream.indirect_vreg.gather [hbm4b:s9+s3], $0x80, v2, vm0, $0xb8;
	[tilespmem:$0x1C200] =	vst v63  }
0x134: {  	s14 =	simm.s32 $0xF200  }
0x135: {  	[tilespmem:s14], [sflag:$0x4] =	stream.indirect_vreg.gather [hbm4b:s10+s3], $0x80, v2, vm0, $0xb8;
	[tilespmem:$0x1C200] =	vst v63  }
0x136: {  	s15 =	simm.s32 $0xFA00  }
0x137: {  	[tilespmem:s15], [sflag:$0x4] =	stream.indirect_vreg.gather [hbm4b:s12+s3], $0x80, v2, vm0, $0xb8;
	[tilespmem:$0x1C200] =	vst v63  }
0x138: {  	_ =	swait.ge [sflag:s29], $0x4000  }
0x139: {  	[sflag:s29] =	ssyncset.done $0x0  }
0x13a: {  	s19 =	rddreg [dreg:$0xc];
	[sflag:s29] =	ssyncadd.s32 $0xFFFFC000  }
0x13b: {  	[hbm4b:s19+s3] =	stream.linear.scatter [tilespmem:s22], [sflag:$0xE], $0x4000, $0x38;
	[tilespmem:$0x1C200] =	vst v63  }
0x13c: {  	_ =	swait.ge [sflag:s4], $0x4000  }
0x13d: {  	[sflag:s4] =	ssyncset.done $0x0  }
0x13e: {  	[sflag:s4] =	ssyncadd.s32 $0xFFFFC000  }
0x13f: {  	v2 =	vld.msk [tilespmem:$0x58], $0xff;
	_ =	sdelay $0x4  }
0x140: {  	v3 =	vshll.u32 v2, $0x4  }
0x141: {  	v2 =	vand.u32 $0x7, v2;
	v3 =	vand.u32 $0xFFFFFF80, v3  }
0x142: {  	v2 =	vor.u32 v2, v3  }
0x143: {  	v2 =	vperm.xlane v2, v0;
	_ =	sdelay $0x1  }
0x144: {  	v2 =	vadd.s32 v1, v2;
	_ =	sdelay $0x4  }
0x145: {  	[tilespmem:s16], [sflag:$0x5] =	stream.indirect_vreg.gather [hbm4b:s2+s3], $0x80, v2, vm0, $0xb8;
	[tilespmem:$0x1C200] =	vst v63  }
0x146: {  	_ = 	snop  }
0x147: {  	[tilespmem:s18], [sflag:$0x5] =	stream.indirect_vreg.gather [hbm4b:s5+s3], $0x80, v2, vm0, $0xb8;
	[tilespmem:$0x1C200] =	vst v63  }
0x148: {  	s20 =	simm.s32 $0x11200  }
0x149: {  	[tilespmem:s20], [sflag:$0x5] =	stream.indirect_vreg.gather [hbm4b:s6+s3], $0x80, v2, vm0, $0xb8;
	[tilespmem:$0x1C200] =	vst v63  }
0x14a: {  	s22 =	simm.s32 $0x11A00  }
0x14b: {  	[tilespmem:s22], [sflag:$0x5] =	stream.indirect_vreg.gather [hbm4b:s7+s3], $0x80, v2, vm0, $0xb8;
	[tilespmem:$0x1C200] =	vst v63  }
0x14c: {  	s24 =	simm.s32 $0x12200  }
0x14d: {  	[tilespmem:s24], [sflag:$0x5] =	stream.indirect_vreg.gather [hbm4b:s8+s3], $0x80, v2, vm0, $0xb8;
	[tilespmem:$0x1C200] =	vst v63  }
0x14e: {  	s28 =	simm.s32 $0x12A00  }
0x14f: {  	[tilespmem:s28], [sflag:$0x5] =	stream.indirect_vreg.gather [hbm4b:s9+s3], $0x80, v2, vm0, $0xb8;
	[tilespmem:$0x1C200] =	vst v63  }
0x150: {  	s30 =	simm.s32 $0x13200  }
0x151: {  	[tilespmem:s30], [sflag:$0x5] =	stream.indirect_vreg.gather [hbm4b:s10+s3], $0x80, v2, vm0, $0xb8;
	[tilespmem:$0x1C200] =	vst v63  }
0x152: {  	s31 =	simm.s32 $0x13A00;
	s15 =	simm.s32 $0x90;
	s16 =	simm.s32 $0x0  }
0x153: {  	[tilespmem:s31], [sflag:$0x5] =	stream.indirect_vreg.gather [hbm4b:s12+s3], $0x80, v2, vm0, $0xb8;
	[tilespmem:$0x1C200] =	vst v63  }
.LBB2_2:
0x154: {  	s0 =	simm.s32 $0x1  }
0x155: {  	_ =	swait.ge [sflag:s0], $0x4000  }
0x156: {  	s24 =	rddreg [dreg:$0x4]  }
0x157: {  	[sflag:s0] =	ssyncset.done $0x0;
	s24 =	sadd.s32 s16, s24  }
0x158: {  	s19 =	simm.s32 $0x200;
	[sflag:s0] =	ssyncadd.s32 $0xFFFFC000;
	s30 =	sadd.s32 $0x3800, s24  }
0x159: {  	[hbm4b:s30+s3] =	stream.linear.scatter [tilespmem:s19], [sflag:$0x8], $0x4000, $0x38;
	[tilespmem:$0x1C200] =	vst v63  }
0x15a: {  	_ =	swait.ge [sflag:s17], $0x4000  }
0x15b: {  	[sflag:s17] =	ssyncset.done $0x0  }
0x15c: {  	[sflag:s17] =	ssyncadd.s32 $0xFFFFC000  }
0x15d: {  	v2 =	vld.msk [tilespmem:s15+$0xFFFFFFD0], $0xff;
	_ =	sdelay $0x4  }
0x15e: {  	v3 =	vshll.u32 v2, $0x4  }
0x15f: {  	v2 =	vand.u32 $0x7, v2;
	v3 =	vand.u32 $0xFFFFFF80, v3  }
0x160: {  	v2 =	vor.u32 v2, v3  }
0x161: {  	v2 =	vperm.xlane v2, v0;
	_ =	sdelay $0x1  }
0x162: {  	v2 =	vadd.s32 v1, v2;
	_ =	sdelay $0x3  }
0x163: {  	s20 =	simm.s32 $0x14200  }
0x164: {  	[tilespmem:s20], [sflag:$0x6] =	stream.indirect_vreg.gather [hbm4b:s2+s3], $0x80, v2, vm0, $0xb8;
	[tilespmem:$0x1C200] =	vst v63  }
0x165: {  	s18 =	simm.s32 $0x14A00  }
0x166: {  	[tilespmem:s18], [sflag:$0x6] =	stream.indirect_vreg.gather [hbm4b:s5+s3], $0x80, v2, vm0, $0xb8;
	[tilespmem:$0x1C200] =	vst v63  }
0x167: {  	s22 =	simm.s32 $0x15200  }
0x168: {  	[tilespmem:s22], [sflag:$0x6] =	stream.indirect_vreg.gather [hbm4b:s6+s3], $0x80, v2, vm0, $0xb8;
	[tilespmem:$0x1C200] =	vst v63  }
0x169: {  	s14 =	simm.s32 $0x15A00  }
0x16a: {  	[tilespmem:s14], [sflag:$0x6] =	stream.indirect_vreg.gather [hbm4b:s7+s3], $0x80, v2, vm0, $0xb8;
	[tilespmem:$0x1C200] =	vst v63  }
0x16b: {  	s18 =	simm.s32 $0x16200  }
0x16c: {  	[tilespmem:s18], [sflag:$0x6] =	stream.indirect_vreg.gather [hbm4b:s8+s3], $0x80, v2, vm0, $0xb8;
	[tilespmem:$0x1C200] =	vst v63  }
0x16d: {  	s22 =	simm.s32 $0x16A00  }
0x16e: {  	[tilespmem:s22], [sflag:$0x6] =	stream.indirect_vreg.gather [hbm4b:s9+s3], $0x80, v2, vm0, $0xb8;
	[tilespmem:$0x1C200] =	vst v63  }
0x16f: {  	s14 =	simm.s32 $0x17200  }
0x170: {  	[tilespmem:s14], [sflag:$0x6] =	stream.indirect_vreg.gather [hbm4b:s10+s3], $0x80, v2, vm0, $0xb8;
	[tilespmem:$0x1C200] =	vst v63  }
0x171: {  	s18 =	simm.s32 $0x17A00;
	s22 =	simm.s32 $0x2  }
0x172: {  	[tilespmem:s18], [sflag:$0x6] =	stream.indirect_vreg.gather [hbm4b:s12+s3], $0x80, v2, vm0, $0xb8;
	[tilespmem:$0x1C200] =	vst v63  }
0x173: {  	_ =	swait.ge [sflag:s22], $0x4000  }
0x174: {  	[sflag:s22] =	ssyncset.done $0x0  }
0x175: {  	s28 =	simm.s32 $0x4200;
	s30 =	sadd.s32 $0x4000, s24;
	[sflag:s22] =	ssyncadd.s32 $0xFFFFC000  }
0x176: {  	[hbm4b:s30+s3] =	stream.linear.scatter [tilespmem:s28], [sflag:$0x9], $0x4000, $0x38;
	[tilespmem:$0x1C200] =	vst v63  }
0x177: {  	_ =	swait.ge [sflag:s13], $0x4000  }
0x178: {  	[sflag:s13] =	ssyncset.done $0x0  }
0x179: {  	[sflag:s13] =	ssyncadd.s32 $0xFFFFC000  }
0x17a: {  	v2 =	vld.msk [tilespmem:s15+$0xFFFFFFD8], $0xff;
	_ =	sdelay $0x4  }
0x17b: {  	v3 =	vshll.u32 v2, $0x4  }
0x17c: {  	v2 =	vand.u32 $0x7, v2;
	v3 =	vand.u32 $0xFFFFFF80, v3  }
0x17d: {  	v2 =	vor.u32 v2, v3  }
0x17e: {  	v2 =	vperm.xlane v2, v0;
	_ =	sdelay $0x1  }
0x17f: {  	v2 =	vadd.s32 v1, v2;
	_ =	sdelay $0x3  }
0x180: {  	s22 =	simm.s32 $0x18200  }
0x181: {  	[tilespmem:s22], [sflag:$0x7] =	stream.indirect_vreg.gather [hbm4b:s2+s3], $0x80, v2, vm0, $0xb8;
	[tilespmem:$0x1C200] =	vst v63  }
0x182: {  	s14 =	simm.s32 $0x18A00  }
0x183: {  	[tilespmem:s14], [sflag:$0x7] =	stream.indirect_vreg.gather [hbm4b:s5+s3], $0x80, v2, vm0, $0xb8;
	[tilespmem:$0x1C200] =	vst v63  }
0x184: {  	s18 =	simm.s32 $0x19200  }
0x185: {  	[tilespmem:s18], [sflag:$0x7] =	stream.indirect_vreg.gather [hbm4b:s6+s3], $0x80, v2, vm0, $0xb8;
	[tilespmem:$0x1C200] =	vst v63  }
0x186: {  	s14 =	simm.s32 $0x19A00  }
0x187: {  	[tilespmem:s14], [sflag:$0x7] =	stream.indirect_vreg.gather [hbm4b:s7+s3], $0x80, v2, vm0, $0xb8;
	[tilespmem:$0x1C200] =	vst v63  }
0x188: {  	s18 =	simm.s32 $0x1A200  }
0x189: {  	[tilespmem:s18], [sflag:$0x7] =	stream.indirect_vreg.gather [hbm4b:s8+s3], $0x80, v2, vm0, $0xb8;
	[tilespmem:$0x1C200] =	vst v63  }
0x18a: {  	s14 =	simm.s32 $0x1AA00  }
0x18b: {  	[tilespmem:s14], [sflag:$0x7] =	stream.indirect_vreg.gather [hbm4b:s9+s3], $0x80, v2, vm0, $0xb8;
	[tilespmem:$0x1C200] =	vst v63  }
0x18c: {  	s18 =	simm.s32 $0x1B200  }
0x18d: {  	[tilespmem:s18], [sflag:$0x7] =	stream.indirect_vreg.gather [hbm4b:s10+s3], $0x80, v2, vm0, $0xb8;
	[tilespmem:$0x1C200] =	vst v63  }
0x18e: {  	s14 =	simm.s32 $0x1BA00;
	s18 =	simm.s32 $0x3  }
0x18f: {  	[tilespmem:s14], [sflag:$0x7] =	stream.indirect_vreg.gather [hbm4b:s12+s3], $0x80, v2, vm0, $0xb8;
	[tilespmem:$0x1C200] =	vst v63  }
0x190: {  	_ =	swait.ge [sflag:s18], $0x4000  }
0x191: {  	[sflag:s18] =	ssyncset.done $0x0  }
0x192: {  	s0 =	simm.s32 $0x8200;
	s30 =	sadd.s32 $0x4800, s24;
	[sflag:s18] =	ssyncadd.s32 $0xFFFFC000  }
0x193: {  	[hbm4b:s30+s3] =	stream.linear.scatter [tilespmem:s0], [sflag:$0xA], $0x4000, $0x38;
	[tilespmem:$0x1C200] =	vst v63  }
0x194: {  	_ =	swait.ge [sflag:s21], $0x4000  }
0x195: {  	[sflag:s21] =	ssyncset.done $0x0  }
0x196: {  	[sflag:s21] =	ssyncadd.s32 $0xFFFFC000  }
0x197: {  	v2 =	vld.msk [tilespmem:s15+$0xFFFFFFE0], $0xff;
	_ =	sdelay $0x4  }
0x198: {  	v3 =	vshll.u32 v2, $0x4  }
0x199: {  	v2 =	vand.u32 $0x7, v2;
	v3 =	vand.u32 $0xFFFFFF80, v3  }
0x19a: {  	v2 =	vor.u32 v2, v3  }
0x19b: {  	v2 =	vperm.xlane v2, v0;
	_ =	sdelay $0x1  }
0x19c: {  	v2 =	vadd.s32 v1, v2;
	_ =	sdelay $0x4  }
0x19d: {  	[tilespmem:s19], [sflag:$0x1] =	stream.indirect_vreg.gather [hbm4b:s2+s3], $0x80, v2, vm0, $0xb8;
	[tilespmem:$0x1C200] =	vst v63  }
0x19e: {  	s14 =	simm.s32 $0xA00  }
0x19f: {  	[tilespmem:s14], [sflag:$0x1] =	stream.indirect_vreg.gather [hbm4b:s5+s3], $0x80, v2, vm0, $0xb8;
	[tilespmem:$0x1C200] =	vst v63  }
0x1a0: {  	s18 =	simm.s32 $0x1200  }
0x1a1: {  	[tilespmem:s18], [sflag:$0x1] =	stream.indirect_vreg.gather [hbm4b:s6+s3], $0x80, v2, vm0, $0xb8;
	[tilespmem:$0x1C200] =	vst v63  }
0x1a2: {  	s14 =	simm.s32 $0x1A00  }
0x1a3: {  	[tilespmem:s14], [sflag:$0x1] =	stream.indirect_vreg.gather [hbm4b:s7+s3], $0x80, v2, vm0, $0xb8;
	[tilespmem:$0x1C200] =	vst v63  }
0x1a4: {  	s18 =	simm.s32 $0x2200  }
0x1a5: {  	[tilespmem:s18], [sflag:$0x1] =	stream.indirect_vreg.gather [hbm4b:s8+s3], $0x80, v2, vm0, $0xb8;
	[tilespmem:$0x1C200] =	vst v63  }
0x1a6: {  	s14 =	simm.s32 $0x2A00  }
0x1a7: {  	[tilespmem:s14], [sflag:$0x1] =	stream.indirect_vreg.gather [hbm4b:s9+s3], $0x80, v2, vm0, $0xb8;
	[tilespmem:$0x1C200] =	vst v63  }
0x1a8: {  	s18 =	simm.s32 $0x3200  }
0x1a9: {  	[tilespmem:s18], [sflag:$0x1] =	stream.indirect_vreg.gather [hbm4b:s10+s3], $0x80, v2, vm0, $0xb8;
	[tilespmem:$0x1C200] =	vst v63  }
0x1aa: {  	s14 =	simm.s32 $0x3A00  }
0x1ab: {  	[tilespmem:s14], [sflag:$0x1] =	stream.indirect_vreg.gather [hbm4b:s12+s3], $0x80, v2, vm0, $0xb8;
	[tilespmem:$0x1C200] =	vst v63  }
0x1ac: {  	s14 =	simm.s32 $0x4  }
0x1ad: {  	_ =	swait.ge [sflag:s14], $0x4000  }
0x1ae: {  	[sflag:s14] =	ssyncset.done $0x0  }
0x1af: {  	s31 =	simm.s32 $0xC200;
	s30 =	sadd.s32 $0x5000, s24;
	[sflag:s14] =	ssyncadd.s32 $0xFFFFC000  }
0x1b0: {  	[hbm4b:s30+s3] =	stream.linear.scatter [tilespmem:s31], [sflag:$0xB], $0x4000, $0x38;
	[tilespmem:$0x1C200] =	vst v63  }
0x1b1: {  	_ =	swait.ge [sflag:s23], $0x4000  }
0x1b2: {  	[sflag:s23] =	ssyncset.done $0x0  }
0x1b3: {  	[sflag:s23] =	ssyncadd.s32 $0xFFFFC000  }
0x1b4: {  	v2 =	vld.msk [tilespmem:s15+$0xFFFFFFE8], $0xff;
	_ =	sdelay $0x4  }
0x1b5: {  	v3 =	vshll.u32 v2, $0x4  }
0x1b6: {  	v2 =	vand.u32 $0x7, v2;
	v3 =	vand.u32 $0xFFFFFF80, v3  }
0x1b7: {  	v2 =	vor.u32 v2, v3  }
0x1b8: {  	v2 =	vperm.xlane v2, v0;
	_ =	sdelay $0x1  }
0x1b9: {  	v2 =	vadd.s32 v1, v2;
	_ =	sdelay $0x4  }
0x1ba: {  	[tilespmem:s28], [sflag:$0x2] =	stream.indirect_vreg.gather [hbm4b:s2+s3], $0x80, v2, vm0, $0xb8;
	[tilespmem:$0x1C200] =	vst v63  }
0x1bb: {  	s28 =	simm.s32 $0x4A00  }
0x1bc: {  	[tilespmem:s28], [sflag:$0x2] =	stream.indirect_vreg.gather [hbm4b:s5+s3], $0x80, v2, vm0, $0xb8;
	[tilespmem:$0x1C200] =	vst v63  }
0x1bd: {  	s18 =	simm.s32 $0x5200  }
0x1be: {  	[tilespmem:s18], [sflag:$0x2] =	stream.indirect_vreg.gather [hbm4b:s6+s3], $0x80, v2, vm0, $0xb8;
	[tilespmem:$0x1C200] =	vst v63  }
0x1bf: {  	s18 =	simm.s32 $0x5A00  }
0x1c0: {  	[tilespmem:s18], [sflag:$0x2] =	stream.indirect_vreg.gather [hbm4b:s7+s3], $0x80, v2, vm0, $0xb8;
	[tilespmem:$0x1C200] =	vst v63  }
0x1c1: {  	s18 =	simm.s32 $0x6200  }
0x1c2: {  	[tilespmem:s18], [sflag:$0x2] =	stream.indirect_vreg.gather [hbm4b:s8+s3], $0x80, v2, vm0, $0xb8;
	[tilespmem:$0x1C200] =	vst v63  }
0x1c3: {  	s18 =	simm.s32 $0x6A00  }
0x1c4: {  	[tilespmem:s18], [sflag:$0x2] =	stream.indirect_vreg.gather [hbm4b:s9+s3], $0x80, v2, vm0, $0xb8;
	[tilespmem:$0x1C200] =	vst v63  }
0x1c5: {  	s18 =	simm.s32 $0x7200  }
0x1c6: {  	[tilespmem:s18], [sflag:$0x2] =	stream.indirect_vreg.gather [hbm4b:s10+s3], $0x80, v2, vm0, $0xb8;
	[tilespmem:$0x1C200] =	vst v63  }
0x1c7: {  	s18 =	simm.s32 $0x7A00  }
0x1c8: {  	[tilespmem:s18], [sflag:$0x2] =	stream.indirect_vreg.gather [hbm4b:s12+s3], $0x80, v2, vm0, $0xb8;
	[tilespmem:$0x1C200] =	vst v63  }
0x1c9: {  	_ =	swait.ge [sflag:s25], $0x4000  }
0x1ca: {  	[sflag:s25] =	ssyncset.done $0x0  }
0x1cb: {  	s30 =	sadd.s32 $0x5800, s24;
	s18 =	simm.s32 $0x10200;
	[sflag:s25] =	ssyncadd.s32 $0xFFFFC000  }
0x1cc: {  	[hbm4b:s30+s3] =	stream.linear.scatter [tilespmem:s18], [sflag:$0xC], $0x4000, $0x38;
	[tilespmem:$0x1C200] =	vst v63  }
0x1cd: {  	_ =	swait.ge [sflag:s26], $0x4000  }
0x1ce: {  	[sflag:s26] =	ssyncset.done $0x0  }
0x1cf: {  	[sflag:s26] =	ssyncadd.s32 $0xFFFFC000  }
0x1d0: {  	v2 =	vld.msk [tilespmem:s15+$0xFFFFFFF0], $0xff;
	_ =	sdelay $0x4  }
0x1d1: {  	v3 =	vshll.u32 v2, $0x4  }
0x1d2: {  	v2 =	vand.u32 $0x7, v2;
	v3 =	vand.u32 $0xFFFFFF80, v3  }
0x1d3: {  	v2 =	vor.u32 v2, v3  }
0x1d4: {  	v2 =	vperm.xlane v2, v0;
	_ =	sdelay $0x1  }
0x1d5: {  	v2 =	vadd.s32 v1, v2;
	_ =	sdelay $0x4  }
0x1d6: {  	[tilespmem:s0], [sflag:$0x3] =	stream.indirect_vreg.gather [hbm4b:s2+s3], $0x80, v2, vm0, $0xb8;
	[tilespmem:$0x1C200] =	vst v63  }
0x1d7: {  	s0 =	simm.s32 $0x8A00  }
0x1d8: {  	[tilespmem:s0], [sflag:$0x3] =	stream.indirect_vreg.gather [hbm4b:s5+s3], $0x80, v2, vm0, $0xb8;
	[tilespmem:$0x1C200] =	vst v63  }
0x1d9: {  	s30 =	simm.s32 $0x9200  }
0x1da: {  	[tilespmem:s30], [sflag:$0x3] =	stream.indirect_vreg.gather [hbm4b:s6+s3], $0x80, v2, vm0, $0xb8;
	[tilespmem:$0x1C200] =	vst v63  }
0x1db: {  	s30 =	simm.s32 $0x9A00  }
0x1dc: {  	[tilespmem:s30], [sflag:$0x3] =	stream.indirect_vreg.gather [hbm4b:s7+s3], $0x80, v2, vm0, $0xb8;
	[tilespmem:$0x1C200] =	vst v63  }
0x1dd: {  	s30 =	simm.s32 $0xA200  }
0x1de: {  	[tilespmem:s30], [sflag:$0x3] =	stream.indirect_vreg.gather [hbm4b:s8+s3], $0x80, v2, vm0, $0xb8;
	[tilespmem:$0x1C200] =	vst v63  }
0x1df: {  	s30 =	simm.s32 $0xAA00  }
0x1e0: {  	[tilespmem:s30], [sflag:$0x3] =	stream.indirect_vreg.gather [hbm4b:s9+s3], $0x80, v2, vm0, $0xb8;
	[tilespmem:$0x1C200] =	vst v63  }
0x1e1: {  	s30 =	simm.s32 $0xB200  }
0x1e2: {  	[tilespmem:s30], [sflag:$0x3] =	stream.indirect_vreg.gather [hbm4b:s10+s3], $0x80, v2, vm0, $0xb8;
	[tilespmem:$0x1C200] =	vst v63  }
0x1e3: {  	s30 =	simm.s32 $0xBA00  }
0x1e4: {  	[tilespmem:s30], [sflag:$0x3] =	stream.indirect_vreg.gather [hbm4b:s12+s3], $0x80, v2, vm0, $0xb8;
	[tilespmem:$0x1C200] =	vst v63  }
0x1e5: {  	_ =	swait.ge [sflag:s11], $0x4000  }
0x1e6: {  	[sflag:s11] =	ssyncset.done $0x0  }
0x1e7: {  	s30 =	sadd.s32 $0x6000, s24;
	[sflag:s11] =	ssyncadd.s32 $0xFFFFC000  }
0x1e8: {  	[hbm4b:s30+s3] =	stream.linear.scatter [tilespmem:s20], [sflag:$0xD], $0x4000, $0x38;
	[tilespmem:$0x1C200] =	vst v63  }
0x1e9: {  	_ =	swait.ge [sflag:s1], $0x4000  }
0x1ea: {  	[sflag:s1] =	ssyncset.done $0x0  }
0x1eb: {  	[sflag:s1] =	ssyncadd.s32 $0xFFFFC000  }
0x1ec: {  	v2 =	vld.msk [tilespmem:s15+$0xFFFFFFF8], $0xff;
	_ =	sdelay $0x4  }
0x1ed: {  	v3 =	vshll.u32 v2, $0x4  }
0x1ee: {  	v2 =	vand.u32 $0x7, v2;
	v3 =	vand.u32 $0xFFFFFF80, v3  }
0x1ef: {  	v2 =	vor.u32 v2, v3  }
0x1f0: {  	v2 =	vperm.xlane v2, v0;
	_ =	sdelay $0x1  }
0x1f1: {  	v2 =	vadd.s32 v1, v2;
	_ =	sdelay $0x4  }
0x1f2: {  	[tilespmem:s31], [sflag:$0x4] =	stream.indirect_vreg.gather [hbm4b:s2+s3], $0x80, v2, vm0, $0xb8;
	[tilespmem:$0x1C200] =	vst v63  }
0x1f3: {  	s31 =	simm.s32 $0xCA00  }
0x1f4: {  	[tilespmem:s31], [sflag:$0x4] =	stream.indirect_vreg.gather [hbm4b:s5+s3], $0x80, v2, vm0, $0xb8;
	[tilespmem:$0x1C200] =	vst v63  }
0x1f5: {  	s20 =	simm.s32 $0xD200  }
0x1f6: {  	[tilespmem:s20], [sflag:$0x4] =	stream.indirect_vreg.gather [hbm4b:s6+s3], $0x80, v2, vm0, $0xb8;
	[tilespmem:$0x1C200] =	vst v63  }
0x1f7: {  	s20 =	simm.s32 $0xDA00  }
0x1f8: {  	[tilespmem:s20], [sflag:$0x4] =	stream.indirect_vreg.gather [hbm4b:s7+s3], $0x80, v2, vm0, $0xb8;
	[tilespmem:$0x1C200] =	vst v63  }
0x1f9: {  	s20 =	simm.s32 $0xE200  }
0x1fa: {  	[tilespmem:s20], [sflag:$0x4] =	stream.indirect_vreg.gather [hbm4b:s8+s3], $0x80, v2, vm0, $0xb8;
	[tilespmem:$0x1C200] =	vst v63  }
0x1fb: {  	s20 =	simm.s32 $0xEA00  }
0x1fc: {  	[tilespmem:s20], [sflag:$0x4] =	stream.indirect_vreg.gather [hbm4b:s9+s3], $0x80, v2, vm0, $0xb8;
	[tilespmem:$0x1C200] =	vst v63  }
0x1fd: {  	s20 =	simm.s32 $0xF200  }
0x1fe: {  	[tilespmem:s20], [sflag:$0x4] =	stream.indirect_vreg.gather [hbm4b:s10+s3], $0x80, v2, vm0, $0xb8;
	[tilespmem:$0x1C200] =	vst v63  }
0x1ff: {  	s20 =	simm.s32 $0xFA00  }
0x200: {  	[tilespmem:s20], [sflag:$0x4] =	stream.indirect_vreg.gather [hbm4b:s12+s3], $0x80, v2, vm0, $0xb8;
	[tilespmem:$0x1C200] =	vst v63  }
0x201: {  	_ =	swait.ge [sflag:s29], $0x4000  }
0x202: {  	[sflag:s29] =	ssyncset.done $0x0  }
0x203: {  	s24 =	sadd.s32 $0x6800, s24;
	[sflag:s29] =	ssyncadd.s32 $0xFFFFC000  }
0x204: {  	[hbm4b:s24+s3] =	stream.linear.scatter [tilespmem:s22], [sflag:$0xE], $0x4000, $0x38;
	[tilespmem:$0x1C200] =	vst v63  }
0x205: {  	_ =	swait.ge [sflag:s4], $0x4000  }
0x206: {  	[sflag:s4] =	ssyncset.done $0x0  }
0x207: {  	[sflag:s4] =	ssyncadd.s32 $0xFFFFC000  }
0x208: {  	v2 =	vld.msk [tilespmem:s15+$0x0], $0xff;
	_ =	sdelay $0x4  }
0x209: {  	v3 =	vshll.u32 v2, $0x4  }
0x20a: {  	v2 =	vand.u32 $0x7, v2;
	v3 =	vand.u32 $0xFFFFFF80, v3  }
0x20b: {  	v2 =	vor.u32 v2, v3  }
0x20c: {  	v2 =	vperm.xlane v2, v0;
	_ =	sdelay $0x1  }
0x20d: {  	v2 =	vadd.s32 v1, v2;
	_ =	sdelay $0x4  }
0x20e: {  	[tilespmem:s18], [sflag:$0x5] =	stream.indirect_vreg.gather [hbm4b:s2+s3], $0x80, v2, vm0, $0xb8;
	[tilespmem:$0x1C200] =	vst v63  }
0x20f: {  	s18 =	simm.s32 $0x10A00  }
0x210: {  	[tilespmem:s18], [sflag:$0x5] =	stream.indirect_vreg.gather [hbm4b:s5+s3], $0x80, v2, vm0, $0xb8;
	[tilespmem:$0x1C200] =	vst v63  }
0x211: {  	s22 =	simm.s32 $0x11200  }
0x212: {  	[tilespmem:s22], [sflag:$0x5] =	stream.indirect_vreg.gather [hbm4b:s6+s3], $0x80, v2, vm0, $0xb8;
	[tilespmem:$0x1C200] =	vst v63  }
0x213: {  	s22 =	simm.s32 $0x11A00  }
0x214: {  	[tilespmem:s22], [sflag:$0x5] =	stream.indirect_vreg.gather [hbm4b:s7+s3], $0x80, v2, vm0, $0xb8;
	[tilespmem:$0x1C200] =	vst v63  }
0x215: {  	s22 =	simm.s32 $0x12200  }
0x216: {  	[tilespmem:s22], [sflag:$0x5] =	stream.indirect_vreg.gather [hbm4b:s8+s3], $0x80, v2, vm0, $0xb8;
	[tilespmem:$0x1C200] =	vst v63  }
0x217: {  	p0 =	sne.s32 s16, $0x15000;
	s22 =	simm.s32 $0x12A00  }
0x218: {  	[tilespmem:s22], [sflag:$0x5] =	stream.indirect_vreg.gather [hbm4b:s9+s3], $0x80, v2, vm0, $0xb8;
	[tilespmem:$0x1C200] =	vst v63  }
.Ltmp0:
0x219: {  	s16 =	sadd.s32 $0x3800, s16;
	s19 =	simm.s32 $0x4200;
	(pc) =	sbr.rel @p0 .LBB2_2-.Ltmp0, $4  }
0x21a: {  	s14 =	simm.s32 $0x8200;
	s30 =	simm.s32 $0xC200;
	s22 =	simm.s32 $0x13200  }
0x21b: {  	[tilespmem:s22], [sflag:$0x5] =	stream.indirect_vreg.gather [hbm4b:s10+s3], $0x80, v2, vm0, $0xb8;
	[tilespmem:$0x1C200] =	vst v63  }
0x21c: {  	s24 =	simm.s32 $0x10200;
	s15 =	sadd.s32 $0x38, s15;
	s22 =	simm.s32 $0x13A00  }
0x21d: {  	[tilespmem:s22], [sflag:$0x5] =	stream.indirect_vreg.gather [hbm4b:s12+s3], $0x80, v2, vm0, $0xb8;
	[tilespmem:$0x1C200] =	vst v63  }
0x21e: {  	s16 =	simm.s32 $0x1  }
0x21f: {  	_ =	swait.ge [sflag:s16], $0x4000  }
0x220: {  	[sflag:s16] =	ssyncset.done $0x0  }
0x221: {  	s22 =	simm.s32 $0x200;
	s15 =	rddreg [dreg:$0xd];
	[sflag:s16] =	ssyncadd.s32 $0xFFFFC000  }
0x222: {  	[hbm4b:s15+s3] =	stream.linear.scatter [tilespmem:s22], [sflag:$0x8], $0x4000, $0x38;
	[tilespmem:$0x1C200] =	vst v63  }
0x223: {  	_ =	swait.ge [sflag:s17], $0x4000  }
0x224: {  	[sflag:s17] =	ssyncset.done $0x0  }
0x225: {  	[sflag:s17] =	ssyncadd.s32 $0xFFFFC000  }
0x226: {  	v2 =	vld.msk [tilespmem:$0x1E8], $0xff;
	_ =	sdelay $0x4  }
0x227: {  	v3 =	vshll.u32 v2, $0x4  }
0x228: {  	v2 =	vand.u32 $0x7, v2;
	v3 =	vand.u32 $0xFFFFFF80, v3  }
0x229: {  	v2 =	vor.u32 v2, v3  }
0x22a: {  	v2 =	vperm.xlane v2, v0;
	_ =	sdelay $0x1  }
0x22b: {  	v2 =	vadd.s32 v1, v2;
	_ =	sdelay $0x3  }
0x22c: {  	s20 =	simm.s32 $0x14200  }
0x22d: {  	[tilespmem:s20], [sflag:$0x6] =	stream.indirect_vreg.gather [hbm4b:s2+s3], $0x80, v2, vm0, $0xb8;
	[tilespmem:$0x1C200] =	vst v63  }
0x22e: {  	s15 =	simm.s32 $0x14A00  }
0x22f: {  	[tilespmem:s15], [sflag:$0x6] =	stream.indirect_vreg.gather [hbm4b:s5+s3], $0x80, v2, vm0, $0xb8;
	[tilespmem:$0x1C200] =	vst v63  }
0x230: {  	s15 =	simm.s32 $0x15200  }
0x231: {  	[tilespmem:s15], [sflag:$0x6] =	stream.indirect_vreg.gather [hbm4b:s6+s3], $0x80, v2, vm0, $0xb8;
	[tilespmem:$0x1C200] =	vst v63  }
0x232: {  	s15 =	simm.s32 $0x15A00  }
0x233: {  	[tilespmem:s15], [sflag:$0x6] =	stream.indirect_vreg.gather [hbm4b:s7+s3], $0x80, v2, vm0, $0xb8;
	[tilespmem:$0x1C200] =	vst v63  }
0x234: {  	s15 =	simm.s32 $0x16200  }
0x235: {  	[tilespmem:s15], [sflag:$0x6] =	stream.indirect_vreg.gather [hbm4b:s8+s3], $0x80, v2, vm0, $0xb8;
	[tilespmem:$0x1C200] =	vst v63  }
0x236: {  	s15 =	simm.s32 $0x16A00  }
0x237: {  	[tilespmem:s15], [sflag:$0x6] =	stream.indirect_vreg.gather [hbm4b:s9+s3], $0x80, v2, vm0, $0xb8;
	[tilespmem:$0x1C200] =	vst v63  }
0x238: {  	s15 =	simm.s32 $0x17200  }
0x239: {  	[tilespmem:s15], [sflag:$0x6] =	stream.indirect_vreg.gather [hbm4b:s10+s3], $0x80, v2, vm0, $0xb8;
	[tilespmem:$0x1C200] =	vst v63  }
0x23a: {  	s15 =	simm.s32 $0x17A00  }
0x23b: {  	[tilespmem:s15], [sflag:$0x6] =	stream.indirect_vreg.gather [hbm4b:s12+s3], $0x80, v2, vm0, $0xb8;
	[tilespmem:$0x1C200] =	vst v63  }
0x23c: {  	s15 =	simm.s32 $0x2  }
0x23d: {  	_ =	swait.ge [sflag:s15], $0x4000  }
0x23e: {  	[sflag:s15] =	ssyncset.done $0x0  }
0x23f: {  	[sflag:s15] =	ssyncadd.s32 $0xFFFFC000;
	s15 =	rddreg [dreg:$0xe]  }
0x240: {  	[hbm4b:s15+s3] =	stream.linear.scatter [tilespmem:s19], [sflag:$0x9], $0x4000, $0x38;
	[tilespmem:$0x1C200] =	vst v63  }
0x241: {  	_ =	swait.ge [sflag:s13], $0x4000  }
0x242: {  	[sflag:s13] =	ssyncset.done $0x0  }
0x243: {  	[sflag:s13] =	ssyncadd.s32 $0xFFFFC000  }
0x244: {  	v2 =	vld.msk [tilespmem:$0x1F0], $0xff;
	_ =	sdelay $0x4  }
0x245: {  	v3 =	vshll.u32 v2, $0x4  }
0x246: {  	v2 =	vand.u32 $0x7, v2;
	v3 =	vand.u32 $0xFFFFFF80, v3  }
0x247: {  	v2 =	vor.u32 v2, v3  }
0x248: {  	v2 =	vperm.xlane v2, v0;
	_ =	sdelay $0x1  }
0x249: {  	v2 =	vadd.s32 v1, v2;
	_ =	sdelay $0x3  }
0x24a: {  	s19 =	simm.s32 $0x18200  }
0x24b: {  	[tilespmem:s19], [sflag:$0x7] =	stream.indirect_vreg.gather [hbm4b:s2+s3], $0x80, v2, vm0, $0xb8;
	[tilespmem:$0x1C200] =	vst v63  }
0x24c: {  	s15 =	simm.s32 $0x18A00  }
0x24d: {  	[tilespmem:s15], [sflag:$0x7] =	stream.indirect_vreg.gather [hbm4b:s5+s3], $0x80, v2, vm0, $0xb8;
	[tilespmem:$0x1C200] =	vst v63  }
0x24e: {  	s15 =	simm.s32 $0x19200  }
0x24f: {  	[tilespmem:s15], [sflag:$0x7] =	stream.indirect_vreg.gather [hbm4b:s6+s3], $0x80, v2, vm0, $0xb8;
	[tilespmem:$0x1C200] =	vst v63  }
0x250: {  	s15 =	simm.s32 $0x19A00  }
0x251: {  	[tilespmem:s15], [sflag:$0x7] =	stream.indirect_vreg.gather [hbm4b:s7+s3], $0x80, v2, vm0, $0xb8;
	[tilespmem:$0x1C200] =	vst v63  }
0x252: {  	s15 =	simm.s32 $0x1A200  }
0x253: {  	[tilespmem:s15], [sflag:$0x7] =	stream.indirect_vreg.gather [hbm4b:s8+s3], $0x80, v2, vm0, $0xb8;
	[tilespmem:$0x1C200] =	vst v63  }
0x254: {  	s15 =	simm.s32 $0x1AA00  }
0x255: {  	[tilespmem:s15], [sflag:$0x7] =	stream.indirect_vreg.gather [hbm4b:s9+s3], $0x80, v2, vm0, $0xb8;
	[tilespmem:$0x1C200] =	vst v63  }
0x256: {  	s15 =	simm.s32 $0x1B200  }
0x257: {  	[tilespmem:s15], [sflag:$0x7] =	stream.indirect_vreg.gather [hbm4b:s10+s3], $0x80, v2, vm0, $0xb8;
	[tilespmem:$0x1C200] =	vst v63  }
0x258: {  	s15 =	simm.s32 $0x1BA00  }
0x259: {  	[tilespmem:s15], [sflag:$0x7] =	stream.indirect_vreg.gather [hbm4b:s12+s3], $0x80, v2, vm0, $0xb8;
	[tilespmem:$0x1C200] =	vst v63  }
0x25a: {  	s15 =	simm.s32 $0x3  }
0x25b: {  	_ =	swait.ge [sflag:s15], $0x4000  }
0x25c: {  	[sflag:s15] =	ssyncset.done $0x0  }
0x25d: {  	[sflag:s15] =	ssyncadd.s32 $0xFFFFC000;
	s15 =	rddreg [dreg:$0xf]  }
0x25e: {  	[hbm4b:s15+s3] =	stream.linear.scatter [tilespmem:s14], [sflag:$0xA], $0x4000, $0x38;
	[tilespmem:$0x1C200] =	vst v63  }
0x25f: {  	_ =	swait.ge [sflag:s21], $0x4000  }
0x260: {  	[sflag:s21] =	ssyncset.done $0x0  }
0x261: {  	[sflag:s21] =	ssyncadd.s32 $0xFFFFC000  }
0x262: {  	v2 =	vld.msk [tilespmem:$0x1F8], $0xff;
	_ =	sdelay $0x4  }
0x263: {  	v3 =	vshll.u32 v2, $0x4  }
0x264: {  	v2 =	vand.u32 $0x7, v2;
	v3 =	vand.u32 $0xFFFFFF80, v3  }
0x265: {  	v2 =	vor.u32 v2, v3  }
0x266: {  	v2 =	vperm.xlane v2, v0;
	_ =	sdelay $0x1  }
0x267: {  	v2 =	vadd.s32 v1, v2;
	_ =	sdelay $0x4  }
0x268: {  	[tilespmem:s22], [sflag:$0x1] =	stream.indirect_vreg.gather [hbm4b:s2+s3], $0x80, v2, vm0, $0xb8;
	[tilespmem:$0x1C200] =	vst v63  }
0x269: {  	s14 =	simm.s32 $0xA00  }
0x26a: {  	[tilespmem:s14], [sflag:$0x1] =	stream.indirect_vreg.gather [hbm4b:s5+s3], $0x80, v2, vm0, $0xb8;
	[tilespmem:$0x1C200] =	vst v63  }
0x26b: {  	s14 =	simm.s32 $0x1200  }
0x26c: {  	[tilespmem:s14], [sflag:$0x1] =	stream.indirect_vreg.gather [hbm4b:s6+s3], $0x80, v2, vm0, $0xb8;
	[tilespmem:$0x1C200] =	vst v63  }
0x26d: {  	s14 =	simm.s32 $0x1A00  }
0x26e: {  	[tilespmem:s14], [sflag:$0x1] =	stream.indirect_vreg.gather [hbm4b:s7+s3], $0x80, v2, vm0, $0xb8;
	[tilespmem:$0x1C200] =	vst v63  }
0x26f: {  	s14 =	simm.s32 $0x2200  }
0x270: {  	[tilespmem:s14], [sflag:$0x1] =	stream.indirect_vreg.gather [hbm4b:s8+s3], $0x80, v2, vm0, $0xb8;
	[tilespmem:$0x1C200] =	vst v63  }
0x271: {  	s14 =	simm.s32 $0x2A00  }
0x272: {  	[tilespmem:s14], [sflag:$0x1] =	stream.indirect_vreg.gather [hbm4b:s9+s3], $0x80, v2, vm0, $0xb8;
	[tilespmem:$0x1C200] =	vst v63  }
0x273: {  	s14 =	simm.s32 $0x3200  }
0x274: {  	[tilespmem:s14], [sflag:$0x1] =	stream.indirect_vreg.gather [hbm4b:s10+s3], $0x80, v2, vm0, $0xb8;
	[tilespmem:$0x1C200] =	vst v63  }
0x275: {  	s15 =	simm.s32 $0x4;
	s14 =	simm.s32 $0x3A00  }
0x276: {  	[tilespmem:s14], [sflag:$0x1] =	stream.indirect_vreg.gather [hbm4b:s12+s3], $0x80, v2, vm0, $0xb8;
	[tilespmem:$0x1C200] =	vst v63  }
0x277: {  	_ =	swait.ge [sflag:s15], $0x4000  }
0x278: {  	[sflag:s15] =	ssyncset.done $0x0  }
0x279: {  	s14 =	rddreg [dreg:$0x10];
	[sflag:s15] =	ssyncadd.s32 $0xFFFFC000  }
0x27a: {  	[hbm4b:s14+s3] =	stream.linear.scatter [tilespmem:s30], [sflag:$0xB], $0x4000, $0x38;
	[tilespmem:$0x1C200] =	vst v63  }
0x27b: {  	_ =	swait.ge [sflag:s25], $0x4000  }
0x27c: {  	[sflag:s25] =	ssyncset.done $0x0  }
0x27d: {  	s14 =	rddreg [dreg:$0x11];
	[sflag:s25] =	ssyncadd.s32 $0xFFFFC000  }
0x27e: {  	[hbm4b:s14+s3] =	stream.linear.scatter [tilespmem:s24], [sflag:$0xC], $0x4000, $0x38;
	[tilespmem:$0x1C200] =	vst v63  }
0x27f: {  	_ =	swait.ge [sflag:s11], $0x4000  }
0x280: {  	[sflag:s11] =	ssyncset.done $0x0  }
0x281: {  	s30 =	rddreg [dreg:$0x12];
	[sflag:s11] =	ssyncadd.s32 $0xFFFFC000  }
0x282: {  	[hbm4b:s30+s3] =	stream.linear.scatter [tilespmem:s20], [sflag:$0xD], $0x4000, $0x38;
	[tilespmem:$0x1C200] =	vst v63  }
0x283: {  	_ =	swait.ge [sflag:s29], $0x4000  }
0x284: {  	[sflag:s29] =	ssyncset.done $0x0  }
0x285: {  	s14 =	rddreg [dreg:$0x14];
	[sflag:s29] =	ssyncadd.s32 $0xFFFFC000  }
0x286: {  	[hbm4b:s14+s3] =	stream.linear.scatter [tilespmem:s19], [sflag:$0xE], $0x4000, $0x38;
	[tilespmem:$0x1C200] =	vst v63  }
0x287: {  	_ =	swait.ge [sflag:s16], $0x4000  }
0x288: {  	[sflag:s16] =	ssyncset.done $0x0  }
0x289: {  	s20 =	rddreg [dreg:$0x15];
	[sflag:s16] =	ssyncadd.s32 $0xFFFFC000  }
0x28a: {  	[hbm4b:s20+s3] =	stream.linear.scatter [tilespmem:s22], [sflag:$0x8], $0x4000, $0x38;
	[tilespmem:$0x1C200] =	vst v63  }
0x28b: {  	_ =	swait.ge [sflag:s23], $0x4000  }
0x28c: {  	[sflag:s23] =	ssyncset.done $0x0  }
0x28d: {  	[sflag:s23] =	ssyncadd.s32 $0xFFFFC000  }
0x28e: {  	_ =	swait.ge [sflag:s26], $0x4000  }
0x28f: {  	[sflag:s26] =	ssyncset.done $0x0  }
0x290: {  	[sflag:s26] =	ssyncadd.s32 $0xFFFFC000  }
0x291: {  	_ =	swait.ge [sflag:s1], $0x4000  }
0x292: {  	[sflag:s1] =	ssyncset.done $0x0  }
0x293: {  	[sflag:s1] =	ssyncadd.s32 $0xFFFFC000  }
0x294: {  	_ =	swait.ge [sflag:s4], $0x4000  }
0x295: {  	[sflag:s4] =	ssyncset.done $0x0  }
0x296: {  	[sflag:s4] =	ssyncadd.s32 $0xFFFFC000  }
0x297: {  	_ =	swait.ge [sflag:s17], $0x4000  }
0x298: {  	[sflag:s17] =	ssyncset.done $0x0  }
0x299: {  	[sflag:s17] =	ssyncadd.s32 $0xFFFFC000  }
0x29a: {  	_ =	swait.ge [sflag:s13], $0x4000  }
0x29b: {  	[sflag:s13] =	ssyncset.done $0x0  }
0x29c: {  	[sflag:s13] =	ssyncadd.s32 $0xFFFFC000  }
0x29d: {  	_ =	swait.ge [sflag:s21], $0x4000  }
0x29e: {  	s24 =	rddreg [dreg:$0x16]  }
0x29f: {  	s30 =	rddreg [dreg:$0x13];
	s16 =	sadd.s32 $0x1, s24  }
0x2a0: {  	p0 =	sne.s32 s16, s30  }
.Ltmp1:
0x2a1: {  	_ = 	snop;
	(pc) =	sbr.rel @p0 .LBB2_1-.Ltmp1, $3  }
0x2a2: {  	_ =	sdelay $0x1  }
0x2a3: {  	[sflag:s21] =	ssyncset.done $0x0  }
0x2a4: {  	s14 =	simm.s32 $0x9200;
	[sflag:s21] =	ssyncadd.s32 $0xFFFFC000  }
0x2a5: {  	_ =	sfence.sel $0x180000  }
0x2a6: {  	[bflag:$0x0] =	sbarrier.arrive $0xFFFF  }
0x2a7: {  	_ =	strace $0x90000047  }
0x2a8: {  	s0 =	stileid.u32;
	[bflag:$0x2] =	sbarrier.arrive $0xFFFF  }
0x2a9: {  	p0 =	sne.s32 s0, $0x0;
	s0 =	rddreg [dreg:$0x3]  }
0x2aa: {  	s0 =	sadd.s32 @!p0 $0x100000, s0  }
0x2ab: {  	[sflag:s0] =	ssyncadd.tile.s32 @!p0 $0x1;
	_ =	shalt  }
.Lfunc_end2:
_tile_overlayer_lowered:
.L_overlay_start_2:
0x2ac: {  	(tag) =	ssettag $0x2  }
0x2ad: {  	s0 =	rddreg [dreg:$0x0];
	s2 =	stileid.u32  }
0x2ae: {  	s1 =	rddreg [dreg:$0x1];
	p0 =	sne.s32 s2, $0x0  }
0x2af: {  	s3 =	rddreg [dreg:$0x2];
	[bflag:$0x3] =	sbarrier.arrive $0xFFFF;
	s2 =	simm.s32 @!p0 $0x1C0F  }
0x2b0: {  	[timem:s3], [sflag:s2] =	dma.local @!p0 [hbm:s0], s1  }
0x2b1: {  	s0 =	simm.s32 @!p0 $0xF  }
0x2b2: {  	_ =	swait.ge @!p0 [sflag:s0], s1  }
0x2b3: {  	s1 =	ssub.s32 @!p0 $0x0, s1;
	[sflag:s0] =	ssyncset.done @!p0 $0x0  }
0x2b4: {  	[sflag:s0] =	ssyncadd.s32 @!p0 s1  }
0x2b5: {  	[bflag:$0x3] =	sbarrier.arrive $0xFFFF  }
0x2b6: {  	_ =	shalt  }

</sc_bundles>
